<compile_context>
chip_gen: v7x
topology: tpu7x:2x2x1
jax: 0.10.2.dev20260603
libtpu: 0.0.44.dev20260713+nightly
codegen_flags: <defaults>
</compile_context>

<pallas_src>
import jax
import jax.numpy as jnp
from jax import lax
from jax.experimental import pallas as pl
from jax.experimental.pallas import tpu as pltpu
from jax.experimental.pallas import tpu_sc as plsc

N_EMBD = 2048
E = 16
TOPK = 2
B, S = 4, 4096
NT = B * S
NC, NS = 2, 16
NW = NC * NS
TPW = NT // NW
TPB = S // TPW
LANES = 16
CHUNKS = TPW // LANES


def _gate_matmul_kernel(x_ref, w_ref, nt_ref, nw_ref, out_ref):
    logits = lax.dot_general(
        w_ref[...], x_ref[...],
        dimension_numbers=(((1,), (1,)), ((), ())),
        preferred_element_type=jnp.float32)
    out_ref[...] = (logits + nw_ref[...] * nt_ref[...])[None]


def _routing_kernel(lg_hbm, probs_hbm, idx_hbm, val_hbm,
                    lt_v, probs_v, idx_v, val_v):
    wid = lax.axis_index("s") * NC + lax.axis_index("c")
    b = wid // TPB
    s0 = (wid % TPB) * TPW
    pltpu.sync_copy(lg_hbm.at[wid], lt_v)

    def chunk(c, carry):
        off = c * LANES
        rows = [lt_v[e, pl.ds(off, LANES)] for e in range(E)]
        best = rows[0]
        bidx = jnp.zeros((LANES,), jnp.int32)
        best2 = jnp.full((LANES,), -jnp.inf, jnp.float32)
        b2idx = jnp.zeros((LANES,), jnp.int32)
        for e in range(1, E):
            v = rows[e]
            gt1 = v > best
            gt2 = v > best2
            e_i = jnp.full((LANES,), e, jnp.int32)
            b2idx = jnp.where(gt1, bidx, jnp.where(gt2, e_i, b2idx))
            best2 = jnp.where(gt1, best, jnp.where(gt2, v, best2))
            bidx = jnp.where(gt1, e_i, bidx)
            best = jnp.where(gt1, v, best)
        ed = jnp.exp(best2 - best)
        denom = 1.0 + ed
        p1 = 1.0 / denom
        p2 = ed / denom
        for e in range(E):
            probs_v[e, pl.ds(off, LANES)] = (
                jnp.where(bidx == e, p1, 0.0)
                + jnp.where(b2idx == e, p2, 0.0))
        idx_v[0, pl.ds(off, LANES)] = bidx
        idx_v[1, pl.ds(off, LANES)] = b2idx
        val_v[0, pl.ds(off, LANES)] = best
        val_v[1, pl.ds(off, LANES)] = best2
        return carry

    lax.fori_loop(0, CHUNKS, chunk, 0)
    for e in range(E):
        pltpu.sync_copy(probs_v.at[e], probs_hbm.at[b, e, pl.ds(s0, TPW)])
    for k in range(TOPK):
        pltpu.sync_copy(idx_v.at[k], idx_hbm.at[b, k, pl.ds(s0, TPW)])
        pltpu.sync_copy(val_v.at[k], val_hbm.at[b, k, pl.ds(s0, TPW)])


def _make_routing_call():
    mesh = plsc.VectorSubcoreMesh(
        core_axis_name="c", subcore_axis_name="s",
        num_cores=NC, num_subcores=NS)
    return pl.kernel(
        _routing_kernel,
        out_type=[
            jax.ShapeDtypeStruct((B, E, S), jnp.float32),
            jax.ShapeDtypeStruct((B, TOPK, S), jnp.int32),
            jax.ShapeDtypeStruct((B, TOPK, S), jnp.float32),
        ],
        mesh=mesh,
        scratch_types=[
            pltpu.VMEM((E, TPW), jnp.float32),
            pltpu.VMEM((E, TPW), jnp.float32),
            pltpu.VMEM((TOPK, TPW), jnp.int32),
            pltpu.VMEM((TOPK, TPW), jnp.float32),
        ],
        compiler_params=pltpu.CompilerParams(needs_layout_passes=False),
    )


def kernel(x, W_gate, noise_weight, noise):
    x2 = x.reshape(NT, N_EMBD)
    noise_t = noise.reshape(NT, E).T
    nw2 = noise_weight.reshape(E, 1)

    logits3 = pl.pallas_call(
        _gate_matmul_kernel,
        grid=(NW,),
        in_specs=[
            pl.BlockSpec((TPW, N_EMBD), lambda w: (w, 0)),
            pl.BlockSpec((E, N_EMBD), lambda w: (0, 0)),
            pl.BlockSpec((E, TPW), lambda w: (0, w)),
            pl.BlockSpec((E, 1), lambda w: (0, 0)),
        ],
        out_specs=pl.BlockSpec((1, E, TPW), lambda w: (w, 0, 0)),
        out_shape=jax.ShapeDtypeStruct((NW, E, TPW), jnp.float32),
        compiler_params=pltpu.CompilerParams(
            dimension_semantics=("arbitrary",)),
    )(x2, W_gate, noise_t, nw2)

    probs, idx, vals = _make_routing_call()(logits3)
    return (probs.transpose(0, 2, 1),
            idx.transpose(0, 2, 1),
            vals.transpose(0, 2, 1))

# --- scband reference (transcript-rebuilt; emitter-appended) ---
"""Pipeline reference for scband-top-kmo-egate-35184372088963 (READ-ONLY COPY).

The authoritative reference and input builder live on the scoring server;
editing this copy changes nothing except your own understanding.
"""

import jax, jax.numpy as jnp
import numpy as np

N_EMBD = 2048
NUM_EXPERTS = 16
TOP_K = 2

def setup_inputs(seed: int = 0) -> dict:
    key = jax.random.key(seed)
    k1, k2, k3 = jax.random.split(key, 3)
    x = jax.random.normal(k1, (4, 4096, N_EMBD), dtype=jnp.float32)
    # gate_linear weight: nn.Linear(n_embd, num_experts, bias=False) -> weight [num_experts, n_embd]
    W_gate = jax.random.normal(k2, (NUM_EXPERTS, N_EMBD), dtype=jnp.float32) * (1.0 / np.sqrt(N_EMBD))
    # noise_weight param initialized to zeros in the module
    noise_weight = jnp.zeros((NUM_EXPERTS,), dtype=jnp.float32)
    # pre-sampled gaussian noise (torch.randn_like(logits)); deterministic here
    noise = jax.random.normal(k3, (4, 4096, NUM_EXPERTS), dtype=jnp.float32)
    return {"x": x, "W_gate": W_gate, "noise_weight": noise_weight, "noise": noise}

def reference(x, W_gate, noise_weight, noise):
    noisy_std = 1.0
    logits = x @ W_gate.T
    noise_scaled = noise * noisy_std * noise_weight
    logits_noisy = logits + noise_scaled
    top_k_logits_noisy, top_k_indices_noisy = jax.lax.top_k(logits_noisy, TOP_K)
    zeros = jnp.full_like(logits_noisy, -jnp.inf)
    # scatter overwrite along last dim
    sparse_logits_noisy = jnp.take_along_axis(
        zeros, top_k_indices_noisy, axis=-1
    )  # placeholder not used; do proper scatter below
    B, S, E = logits_noisy.shape
    flat_zeros = zeros.reshape(-1, E)
    flat_idx = top_k_indices_noisy.reshape(-1, TOP_K)
    flat_vals = top_k_logits_noisy.reshape(-1, TOP_K)
    rows = jnp.arange(flat_zeros.shape[0])[:, None]
    flat_sparse = flat_zeros.at[rows, flat_idx].set(flat_vals)
    sparse_logits_noisy = flat_sparse.reshape(B, S, E)
    gated_probs = jax.nn.softmax(sparse_logits_noisy, axis=-1)
    return (gated_probs, top_k_indices_noisy, top_k_logits_noisy)

if __name__ == "__main__":
    import jax
    _d = setup_inputs()
    print(jax.jit(kernel)(*tuple(_d.values())))

</pallas_src>

<mosaic_0001>
#map = affine_map<(d0, d1) -> (0, 0, 0)>
module attributes {stable_mosaic.version = 14 : i64} {
  func.func @_routing_kernel(%arg0: i32, %arg1: i32, %arg2: memref<32x16x512xf32, #tpu.memory_space<hbm>>, %arg3: memref<4x16x4096xf32, #tpu.memory_space<hbm>>, %arg4: memref<4x2x4096xi32, #tpu.memory_space<hbm>>, %arg5: memref<4x2x4096xf32, #tpu.memory_space<hbm>>, %arg6: memref<16x512xf32, #tpu.memory_space<vmem>>, %arg7: memref<16x512xf32, #tpu.memory_space<vmem>>, %arg8: memref<2x512xi32, #tpu.memory_space<vmem>>, %arg9: memref<2x512xf32, #tpu.memory_space<vmem>>) attributes {dimension_semantics = [#tpu.dimension_semantics<core_parallel>, #tpu.dimension_semantics<subcore_parallel>], iteration_bounds = array<i64: 2, 16>, scalar_prefetch = 0 : i64, scratch_operands = 4 : i64, tpu.core_type = #tpu.core_type<sc_vector_subcore>, window_params = [{transform_indices = #map}, {transform_indices = #map}, {transform_indices = #map}, {transform_indices = #map}]} {
    %mul3A = arith.constant 2 : i32
    %mul3A_0 = arith.muli %arg1, %mul3A : i32
    %add3A = arith.addi %mul3A_0, %arg0 : i32
    %jit3A = arith.constant 8 : i32
    %div3A = arith.divsi %add3A, %jit3A : i32
    %sign3A = arith.constant 0 : i32
    %sign3A_1 = arith.cmpi sgt, %add3A, %sign3A : i32
    %sign3A_2 = arith.extui %sign3A_1 : i1 to i32
    %sign3A_3 = arith.constant 0 : i32
    %sign3A_4 = arith.cmpi slt, %add3A, %sign3A_3 : i32
    %sign3A_5 = arith.extui %sign3A_4 : i1 to i32
    %sign3A_6 = arith.subi %sign3A_2, %sign3A_5 : i32
    %sign3A_7 = arith.constant 0 : i32
    %sign3A_8 = arith.cmpi sgt, %jit3A, %sign3A_7 : i32
    %sign3A_9 = arith.extui %sign3A_8 : i1 to i32
    %sign3A_10 = arith.constant 0 : i32
    %sign3A_11 = arith.cmpi slt, %jit3A, %sign3A_10 : i32
    %sign3A_12 = arith.extui %sign3A_11 : i1 to i32
    %sign3A_13 = arith.subi %sign3A_9, %sign3A_12 : i32
    %ne3A = arith.cmpi ne, %sign3A_6, %sign3A_13 : i32
    %rem3A = arith.remsi %add3A, %jit3A : i32
    %ne3A_14 = arith.constant 0 : i32
    %ne3A_15 = arith.cmpi ne, %rem3A, %ne3A_14 : i32
    %and3A = arith.andi %ne3A, %ne3A_15 : i1
    %sub3A = arith.constant 1 : i32
    %sub3A_16 = arith.subi %div3A, %sub3A : i32
    %select_n3A = arith.select %and3A, %sub3A_16, %div3A : i32
    %jit3A_17 = arith.constant 8 : i32
    %eq3A = arith.constant 0 : i32
    %eq3A_18 = arith.cmpi eq, %jit3A_17, %eq3A : i32
    %jit3A_19 = arith.constant 1 : i32
    %select_n3A_20 = arith.select %eq3A_18, %jit3A_19, %jit3A_17 : i32
    %rem3A_21 = arith.remsi %add3A, %select_n3A_20 : i32
    %ne3A_22 = arith.constant 0 : i32
    %ne3A_23 = arith.cmpi ne, %rem3A_21, %ne3A_22 : i32
    %lt3A = arith.constant 0 : i32
    %lt3A_24 = arith.cmpi slt, %rem3A_21, %lt3A : i32
    %lt3A_25 = arith.constant 0 : i32
    %lt3A_26 = arith.cmpi slt, %select_n3A_20, %lt3A_25 : i32
    %ne3A_27 = arith.xori %lt3A_24, %lt3A_26 : i1
    %and3A_28 = arith.andi %ne3A_27, %ne3A_23 : i1
    %add3A_29 = arith.addi %rem3A_21, %select_n3A_20 : i32
    %select_n3A_30 = arith.select %and3A_28, %add3A_29, %rem3A_21 : i32
    %mul3A_31 = arith.constant 512 : i32
    %mul3A_32 = arith.muli %select_n3A_30, %mul3A_31 : i32
    "tpu.region"() ({
      %run_scoped3A_77 = tpu.sem_alloc : memref<!tpu.dma_semaphore, #tpu.memory_space<semaphore_mem>>
      %dma_start3A = arith.constant 0 : i32
      %dma_start3A_78 = arith.constant 0 : i32
      %dma_start3A_79 = tpu.memref_slice %arg2[%add3A, %dma_start3A, %dma_start3A_78] : memref<32x16x512xf32, #tpu.memory_space<hbm>> -> memref<1x16x512xf32, #tpu.memory_space<hbm>>
      %dma_start3A_80 = tpu.memref_squeeze %dma_start3A_79 : memref<1x16x512xf32, #tpu.memory_space<hbm>> -> memref<16x512xf32, #tpu.memory_space<hbm>>
      %dma_start3A_81 = arith.constant 0 : i32
      %dma_start3A_82 = arith.constant 0 : i32
      %dma_start3A_83 = tpu.memref_slice %arg2[%add3A, %dma_start3A_81, %dma_start3A_82] : memref<32x16x512xf32, #tpu.memory_space<hbm>> -> memref<1x16x512xf32, #tpu.memory_space<hbm>>
      %dma_start3A_84 = tpu.memref_squeeze %dma_start3A_83 : memref<1x16x512xf32, #tpu.memory_space<hbm>> -> memref<16x512xf32, #tpu.memory_space<hbm>>
      tpu.enqueue_dma source(%dma_start3A_84 : memref<16x512xf32, #tpu.memory_space<hbm>>) target(%arg6 : memref<16x512xf32, #tpu.memory_space<vmem>>) target_semaphore(%run_scoped3A_77 : memref<!tpu.dma_semaphore, #tpu.memory_space<semaphore_mem>>)
      %dma_wait3A = arith.constant 0 : i32
      %dma_wait3A_85 = arith.constant 0 : i32
      %dma_wait3A_86 = tpu.memref_slice %arg2[%add3A, %dma_wait3A, %dma_wait3A_85] : memref<32x16x512xf32, #tpu.memory_space<hbm>> -> memref<1x16x512xf32, #tpu.memory_space<hbm>>
      %dma_wait3A_87 = tpu.memref_squeeze %dma_wait3A_86 : memref<1x16x512xf32, #tpu.memory_space<hbm>> -> memref<16x512xf32, #tpu.memory_space<hbm>>
      %dma_wait3A_88 = arith.constant 0 : i32
      %dma_wait3A_89 = arith.constant 0 : i32
      %dma_wait3A_90 = tpu.memref_slice %arg2[%add3A, %dma_wait3A_88, %dma_wait3A_89] : memref<32x16x512xf32, #tpu.memory_space<hbm>> -> memref<1x16x512xf32, #tpu.memory_space<hbm>>
      %dma_wait3A_91 = tpu.memref_squeeze %dma_wait3A_90 : memref<1x16x512xf32, #tpu.memory_space<hbm>> -> memref<16x512xf32, #tpu.memory_space<hbm>>
      tpu.wait_dma2 semaphore(%run_scoped3A_77 : memref<!tpu.dma_semaphore, #tpu.memory_space<semaphore_mem>>) src(%dma_wait3A_91 : memref<16x512xf32, #tpu.memory_space<hbm>>) dst(%arg6 : memref<16x512xf32, #tpu.memory_space<vmem>>)
      tpu.yield
    }) : () -> ()
    %scan3A = arith.constant 0 : i32
    %scan3A_33 = arith.constant 0 : i32
    %scan3A_34 = arith.constant 32 : i32
    %scan3A_35 = arith.addi %scan3A_33, %scan3A_34 : i32
    %scan3A_36 = arith.constant 1 : i32
    scf.for %scan3A_77 = %scan3A_33 to %scan3A_35 step %scan3A_36  : i32 {
      %mul3A_78 = arith.constant 16 : i32
      %mul3A_79 = arith.muli %scan3A_77, %mul3A_78 : i32
      %get3A = arith.constant 0 : i32
      %get3A_80 = arith.index_cast %get3A : i32 to index
      %get3A_81 = arith.index_cast %mul3A_79 : i32 to index
      %get3A_82 = tpu.vector_load %arg6[%get3A_80, %get3A_81] {strides = array<i32>} : memref<16x512xf32, #tpu.memory_space<vmem>>, vector<16xf32>,
      %get3A_83 = arith.constant 1 : i32
      %get3A_84 = arith.index_cast %get3A_83 : i32 to index
      %get3A_85 = arith.index_cast %mul3A_79 : i32 to index
      %get3A_86 = tpu.vector_load %arg6[%get3A_84, %get3A_85] {strides = array<i32>} : memref<16x512xf32, #tpu.memory_space<vmem>>, vector<16xf32>,
      %get3A_87 = arith.constant 2 : i32
      %get3A_88 = arith.index_cast %get3A_87 : i32 to index
      %get3A_89 = arith.index_cast %mul3A_79 : i32 to index
      %get3A_90 = tpu.vector_load %arg6[%get3A_88, %get3A_89] {strides = array<i32>} : memref<16x512xf32, #tpu.memory_space<vmem>>, vector<16xf32>,
      %get3A_91 = arith.constant 3 : i32
      %get3A_92 = arith.index_cast %get3A_91 : i32 to index
      %get3A_93 = arith.index_cast %mul3A_79 : i32 to index
      %get3A_94 = tpu.vector_load %arg6[%get3A_92, %get3A_93] {strides = array<i32>} : memref<16x512xf32, #tpu.memory_space<vmem>>, vector<16xf32>,
      %get3A_95 = arith.constant 4 : i32
      %get3A_96 = arith.index_cast %get3A_95 : i32 to index
      %get3A_97 = arith.index_cast %mul3A_79 : i32 to index
      %get3A_98 = tpu.vector_load %arg6[%get3A_96, %get3A_97] {strides = array<i32>} : memref<16x512xf32, #tpu.memory_space<vmem>>, vector<16xf32>,
      %get3A_99 = arith.constant 5 : i32
      %get3A_100 = arith.index_cast %get3A_99 : i32 to index
      %get3A_101 = arith.index_cast %mul3A_79 : i32 to index
      %get3A_102 = tpu.vector_load %arg6[%get3A_100, %get3A_101] {strides = array<i32>} : memref<16x512xf32, #tpu.memory_space<vmem>>, vector<16xf32>,
      %get3A_103 = arith.constant 6 : i32
      %get3A_104 = arith.index_cast %get3A_103 : i32 to index
      %get3A_105 = arith.index_cast %mul3A_79 : i32 to index
      %get3A_106 = tpu.vector_load %arg6[%get3A_104, %get3A_105] {strides = array<i32>} : memref<16x512xf32, #tpu.memory_space<vmem>>, vector<16xf32>,
      %get3A_107 = arith.constant 7 : i32
      %get3A_108 = arith.index_cast %get3A_107 : i32 to index
      %get3A_109 = arith.index_cast %mul3A_79 : i32 to index
      %get3A_110 = tpu.vector_load %arg6[%get3A_108, %get3A_109] {strides = array<i32>} : memref<16x512xf32, #tpu.memory_space<vmem>>, vector<16xf32>,
      %get3A_111 = arith.constant 8 : i32
      %get3A_112 = arith.index_cast %get3A_111 : i32 to index
      %get3A_113 = arith.index_cast %mul3A_79 : i32 to index
      %get3A_114 = tpu.vector_load %arg6[%get3A_112, %get3A_113] {strides = array<i32>} : memref<16x512xf32, #tpu.memory_space<vmem>>, vector<16xf32>,
      %get3A_115 = arith.constant 9 : i32
      %get3A_116 = arith.index_cast %get3A_115 : i32 to index
      %get3A_117 = arith.index_cast %mul3A_79 : i32 to index
      %get3A_118 = tpu.vector_load %arg6[%get3A_116, %get3A_117] {strides = array<i32>} : memref<16x512xf32, #tpu.memory_space<vmem>>, vector<16xf32>,
      %get3A_119 = arith.constant 10 : i32
      %get3A_120 = arith.index_cast %get3A_119 : i32 to index
      %get3A_121 = arith.index_cast %mul3A_79 : i32 to index
      %get3A_122 = tpu.vector_load %arg6[%get3A_120, %get3A_121] {strides = array<i32>} : memref<16x512xf32, #tpu.memory_space<vmem>>, vector<16xf32>,
      %get3A_123 = arith.constant 11 : i32
      %get3A_124 = arith.index_cast %get3A_123 : i32 to index
      %get3A_125 = arith.index_cast %mul3A_79 : i32 to index
      %get3A_126 = tpu.vector_load %arg6[%get3A_124, %get3A_125] {strides = array<i32>} : memref<16x512xf32, #tpu.memory_space<vmem>>, vector<16xf32>,
      %get3A_127 = arith.constant 12 : i32
      %get3A_128 = arith.index_cast %get3A_127 : i32 to index
      %get3A_129 = arith.index_cast %mul3A_79 : i32 to index
      %get3A_130 = tpu.vector_load %arg6[%get3A_128, %get3A_129] {strides = array<i32>} : memref<16x512xf32, #tpu.memory_space<vmem>>, vector<16xf32>,
      %get3A_131 = arith.constant 13 : i32
      %get3A_132 = arith.index_cast %get3A_131 : i32 to index
      %get3A_133 = arith.index_cast %mul3A_79 : i32 to index
      %get3A_134 = tpu.vector_load %arg6[%get3A_132, %get3A_133] {strides = array<i32>} : memref<16x512xf32, #tpu.memory_space<vmem>>, vector<16xf32>,
      %get3A_135 = arith.constant 14 : i32
      %get3A_136 = arith.index_cast %get3A_135 : i32 to index
      %get3A_137 = arith.index_cast %mul3A_79 : i32 to index
      %get3A_138 = tpu.vector_load %arg6[%get3A_136, %get3A_137] {strides = array<i32>} : memref<16x512xf32, #tpu.memory_space<vmem>>, vector<16xf32>,
      %get3A_139 = arith.constant 15 : i32
      %get3A_140 = arith.index_cast %get3A_139 : i32 to index
      %get3A_141 = arith.index_cast %mul3A_79 : i32 to index
      %get3A_142 = tpu.vector_load %arg6[%get3A_140, %get3A_141] {strides = array<i32>} : memref<16x512xf32, #tpu.memory_space<vmem>>, vector<16xf32>,
      %broadcast_in_dim3A = arith.constant 0 : i32
      %broadcast_in_dim3A_143 = vector.broadcast %broadcast_in_dim3A : i32 to vector<16xi32>
      %broadcast_in_dim3A_144 = arith.constant 0xFF800000 : f32
      %broadcast_in_dim3A_145 = vector.broadcast %broadcast_in_dim3A_144 : f32 to vector<16xf32>
      %broadcast_in_dim3A_146 = arith.constant 0 : i32
      %broadcast_in_dim3A_147 = vector.broadcast %broadcast_in_dim3A_146 : i32 to vector<16xi32>
      %gt3A = arith.cmpf ogt, %get3A_86, %get3A_82 : vector<16xf32>
      %gt3A_148 = arith.cmpf ogt, %get3A_86, %broadcast_in_dim3A_145 : vector<16xf32>
      %broadcast_in_dim3A_149 = arith.constant 1 : i32
      %broadcast_in_dim3A_150 = vector.broadcast %broadcast_in_dim3A_149 : i32 to vector<16xi32>
      %select_n3A_151 = arith.select %gt3A_148, %broadcast_in_dim3A_150, %broadcast_in_dim3A_147 : vector<16xi1>, vector<16xi32>
      %select_n3A_152 = arith.select %gt3A, %broadcast_in_dim3A_143, %select_n3A_151 : vector<16xi1>, vector<16xi32>
      %select_n3A_153 = arith.select %gt3A_148, %get3A_86, %broadcast_in_dim3A_145 : vector<16xi1>, vector<16xf32>
      %select_n3A_154 = arith.select %gt3A, %get3A_82, %select_n3A_153 : vector<16xi1>, vector<16xf32>
      %select_n3A_155 = arith.select %gt3A, %broadcast_in_dim3A_150, %broadcast_in_dim3A_143 : vector<16xi1>, vector<16xi32>
      %select_n3A_156 = arith.select %gt3A, %get3A_86, %get3A_82 : vector<16xi1>, vector<16xf32>
      %gt3A_157 = arith.cmpf ogt, %get3A_90, %select_n3A_156 : vector<16xf32>
      %gt3A_158 = arith.cmpf ogt, %get3A_90, %select_n3A_154 : vector<16xf32>
      %broadcast_in_dim3A_159 = arith.constant 2 : i32
      %broadcast_in_dim3A_160 = vector.broadcast %broadcast_in_dim3A_159 : i32 to vector<16xi32>
      %select_n3A_161 = arith.select %gt3A_158, %broadcast_in_dim3A_160, %select_n3A_152 : vector<16xi1>, vector<16xi32>
      %select_n3A_162 = arith.select %gt3A_157, %select_n3A_155, %select_n3A_161 : vector<16xi1>, vector<16xi32>
      %select_n3A_163 = arith.select %gt3A_158, %get3A_90, %select_n3A_154 : vector<16xi1>, vector<16xf32>
      %select_n3A_164 = arith.select %gt3A_157, %select_n3A_156, %select_n3A_163 : vector<16xi1>, vector<16xf32>
      %select_n3A_165 = arith.select %gt3A_157, %broadcast_in_dim3A_160, %select_n3A_155 : vector<16xi1>, vector<16xi32>
      %select_n3A_166 = arith.select %gt3A_157, %get3A_90, %select_n3A_156 : vector<16xi1>, vector<16xf32>
      %gt3A_167 = arith.cmpf ogt, %get3A_94, %select_n3A_166 : vector<16xf32>
      %gt3A_168 = arith.cmpf ogt, %get3A_94, %select_n3A_164 : vector<16xf32>
      %broadcast_in_dim3A_169 = arith.constant 3 : i32
      %broadcast_in_dim3A_170 = vector.broadcast %broadcast_in_dim3A_169 : i32 to vector<16xi32>
      %select_n3A_171 = arith.select %gt3A_168, %broadcast_in_dim3A_170, %select_n3A_162 : vector<16xi1>, vector<16xi32>
      %select_n3A_172 = arith.select %gt3A_167, %select_n3A_165, %select_n3A_171 : vector<16xi1>, vector<16xi32>
      %select_n3A_173 = arith.select %gt3A_168, %get3A_94, %select_n3A_164 : vector<16xi1>, vector<16xf32>
      %select_n3A_174 = arith.select %gt3A_167, %select_n3A_166, %select_n3A_173 : vector<16xi1>, vector<16xf32>
      %select_n3A_175 = arith.select %gt3A_167, %broadcast_in_dim3A_170, %select_n3A_165 : vector<16xi1>, vector<16xi32>
      %select_n3A_176 = arith.select %gt3A_167, %get3A_94, %select_n3A_166 : vector<16xi1>, vector<16xf32>
      %gt3A_177 = arith.cmpf ogt, %get3A_98, %select_n3A_176 : vector<16xf32>
      %gt3A_178 = arith.cmpf ogt, %get3A_98, %select_n3A_174 : vector<16xf32>
      %broadcast_in_dim3A_179 = arith.constant 4 : i32
      %broadcast_in_dim3A_180 = vector.broadcast %broadcast_in_dim3A_179 : i32 to vector<16xi32>
      %select_n3A_181 = arith.select %gt3A_178, %broadcast_in_dim3A_180, %select_n3A_172 : vector<16xi1>, vector<16xi32>
      %select_n3A_182 = arith.select %gt3A_177, %select_n3A_175, %select_n3A_181 : vector<16xi1>, vector<16xi32>
      %select_n3A_183 = arith.select %gt3A_178, %get3A_98, %select_n3A_174 : vector<16xi1>, vector<16xf32>
      %select_n3A_184 = arith.select %gt3A_177, %select_n3A_176, %select_n3A_183 : vector<16xi1>, vector<16xf32>
      %select_n3A_185 = arith.select %gt3A_177, %broadcast_in_dim3A_180, %select_n3A_175 : vector<16xi1>, vector<16xi32>
      %select_n3A_186 = arith.select %gt3A_177, %get3A_98, %select_n3A_176 : vector<16xi1>, vector<16xf32>
      %gt3A_187 = arith.cmpf ogt, %get3A_102, %select_n3A_186 : vector<16xf32>
      %gt3A_188 = arith.cmpf ogt, %get3A_102, %select_n3A_184 : vector<16xf32>
      %broadcast_in_dim3A_189 = arith.constant 5 : i32
      %broadcast_in_dim3A_190 = vector.broadcast %broadcast_in_dim3A_189 : i32 to vector<16xi32>
      %select_n3A_191 = arith.select %gt3A_188, %broadcast_in_dim3A_190, %select_n3A_182 : vector<16xi1>, vector<16xi32>
      %select_n3A_192 = arith.select %gt3A_187, %select_n3A_185, %select_n3A_191 : vector<16xi1>, vector<16xi32>
      %select_n3A_193 = arith.select %gt3A_188, %get3A_102, %select_n3A_184 : vector<16xi1>, vector<16xf32>
      %select_n3A_194 = arith.select %gt3A_187, %select_n3A_186, %select_n3A_193 : vector<16xi1>, vector<16xf32>
      %select_n3A_195 = arith.select %gt3A_187, %broadcast_in_dim3A_190, %select_n3A_185 : vector<16xi1>, vector<16xi32>
      %select_n3A_196 = arith.select %gt3A_187, %get3A_102, %select_n3A_186 : vector<16xi1>, vector<16xf32>
      %gt3A_197 = arith.cmpf ogt, %get3A_106, %select_n3A_196 : vector<16xf32>
      %gt3A_198 = arith.cmpf ogt, %get3A_106, %select_n3A_194 : vector<16xf32>
      %broadcast_in_dim3A_199 = arith.constant 6 : i32
      %broadcast_in_dim3A_200 = vector.broadcast %broadcast_in_dim3A_199 : i32 to vector<16xi32>
      %select_n3A_201 = arith.select %gt3A_198, %broadcast_in_dim3A_200, %select_n3A_192 : vector<16xi1>, vector<16xi32>
      %select_n3A_202 = arith.select %gt3A_197, %select_n3A_195, %select_n3A_201 : vector<16xi1>, vector<16xi32>
      %select_n3A_203 = arith.select %gt3A_198, %get3A_106, %select_n3A_194 : vector<16xi1>, vector<16xf32>
      %select_n3A_204 = arith.select %gt3A_197, %select_n3A_196, %select_n3A_203 : vector<16xi1>, vector<16xf32>
      %select_n3A_205 = arith.select %gt3A_197, %broadcast_in_dim3A_200, %select_n3A_195 : vector<16xi1>, vector<16xi32>
      %select_n3A_206 = arith.select %gt3A_197, %get3A_106, %select_n3A_196 : vector<16xi1>, vector<16xf32>
      %gt3A_207 = arith.cmpf ogt, %get3A_110, %select_n3A_206 : vector<16xf32>
      %gt3A_208 = arith.cmpf ogt, %get3A_110, %select_n3A_204 : vector<16xf32>
      %broadcast_in_dim3A_209 = arith.constant 7 : i32
      %broadcast_in_dim3A_210 = vector.broadcast %broadcast_in_dim3A_209 : i32 to vector<16xi32>
      %select_n3A_211 = arith.select %gt3A_208, %broadcast_in_dim3A_210, %select_n3A_202 : vector<16xi1>, vector<16xi32>
      %select_n3A_212 = arith.select %gt3A_207, %select_n3A_205, %select_n3A_211 : vector<16xi1>, vector<16xi32>
      %select_n3A_213 = arith.select %gt3A_208, %get3A_110, %select_n3A_204 : vector<16xi1>, vector<16xf32>
      %select_n3A_214 = arith.select %gt3A_207, %select_n3A_206, %select_n3A_213 : vector<16xi1>, vector<16xf32>
      %select_n3A_215 = arith.select %gt3A_207, %broadcast_in_dim3A_210, %select_n3A_205 : vector<16xi1>, vector<16xi32>
      %select_n3A_216 = arith.select %gt3A_207, %get3A_110, %select_n3A_206 : vector<16xi1>, vector<16xf32>
      %gt3A_217 = arith.cmpf ogt, %get3A_114, %select_n3A_216 : vector<16xf32>
      %gt3A_218 = arith.cmpf ogt, %get3A_114, %select_n3A_214 : vector<16xf32>
      %broadcast_in_dim3A_219 = arith.constant 8 : i32
      %broadcast_in_dim3A_220 = vector.broadcast %broadcast_in_dim3A_219 : i32 to vector<16xi32>
      %select_n3A_221 = arith.select %gt3A_218, %broadcast_in_dim3A_220, %select_n3A_212 : vector<16xi1>, vector<16xi32>
      %select_n3A_222 = arith.select %gt3A_217, %select_n3A_215, %select_n3A_221 : vector<16xi1>, vector<16xi32>
      %select_n3A_223 = arith.select %gt3A_218, %get3A_114, %select_n3A_214 : vector<16xi1>, vector<16xf32>
      %select_n3A_224 = arith.select %gt3A_217, %select_n3A_216, %select_n3A_223 : vector<16xi1>, vector<16xf32>
      %select_n3A_225 = arith.select %gt3A_217, %broadcast_in_dim3A_220, %select_n3A_215 : vector<16xi1>, vector<16xi32>
      %select_n3A_226 = arith.select %gt3A_217, %get3A_114, %select_n3A_216 : vector<16xi1>, vector<16xf32>
      %gt3A_227 = arith.cmpf ogt, %get3A_118, %select_n3A_226 : vector<16xf32>
      %gt3A_228 = arith.cmpf ogt, %get3A_118, %select_n3A_224 : vector<16xf32>
      %broadcast_in_dim3A_229 = arith.constant 9 : i32
      %broadcast_in_dim3A_230 = vector.broadcast %broadcast_in_dim3A_229 : i32 to vector<16xi32>
      %select_n3A_231 = arith.select %gt3A_228, %broadcast_in_dim3A_230, %select_n3A_222 : vector<16xi1>, vector<16xi32>
      %select_n3A_232 = arith.select %gt3A_227, %select_n3A_225, %select_n3A_231 : vector<16xi1>, vector<16xi32>
      %select_n3A_233 = arith.select %gt3A_228, %get3A_118, %select_n3A_224 : vector<16xi1>, vector<16xf32>
      %select_n3A_234 = arith.select %gt3A_227, %select_n3A_226, %select_n3A_233 : vector<16xi1>, vector<16xf32>
      %select_n3A_235 = arith.select %gt3A_227, %broadcast_in_dim3A_230, %select_n3A_225 : vector<16xi1>, vector<16xi32>
      %select_n3A_236 = arith.select %gt3A_227, %get3A_118, %select_n3A_226 : vector<16xi1>, vector<16xf32>
      %gt3A_237 = arith.cmpf ogt, %get3A_122, %select_n3A_236 : vector<16xf32>
      %gt3A_238 = arith.cmpf ogt, %get3A_122, %select_n3A_234 : vector<16xf32>
      %broadcast_in_dim3A_239 = arith.constant 10 : i32
      %broadcast_in_dim3A_240 = vector.broadcast %broadcast_in_dim3A_239 : i32 to vector<16xi32>
      %select_n3A_241 = arith.select %gt3A_238, %broadcast_in_dim3A_240, %select_n3A_232 : vector<16xi1>, vector<16xi32>
      %select_n3A_242 = arith.select %gt3A_237, %select_n3A_235, %select_n3A_241 : vector<16xi1>, vector<16xi32>
      %select_n3A_243 = arith.select %gt3A_238, %get3A_122, %select_n3A_234 : vector<16xi1>, vector<16xf32>
      %select_n3A_244 = arith.select %gt3A_237, %select_n3A_236, %select_n3A_243 : vector<16xi1>, vector<16xf32>
      %select_n3A_245 = arith.select %gt3A_237, %broadcast_in_dim3A_240, %select_n3A_235 : vector<16xi1>, vector<16xi32>
      %select_n3A_246 = arith.select %gt3A_237, %get3A_122, %select_n3A_236 : vector<16xi1>, vector<16xf32>
      %gt3A_247 = arith.cmpf ogt, %get3A_126, %select_n3A_246 : vector<16xf32>
      %gt3A_248 = arith.cmpf ogt, %get3A_126, %select_n3A_244 : vector<16xf32>
      %broadcast_in_dim3A_249 = arith.constant 11 : i32
      %broadcast_in_dim3A_250 = vector.broadcast %broadcast_in_dim3A_249 : i32 to vector<16xi32>
      %select_n3A_251 = arith.select %gt3A_248, %broadcast_in_dim3A_250, %select_n3A_242 : vector<16xi1>, vector<16xi32>
      %select_n3A_252 = arith.select %gt3A_247, %select_n3A_245, %select_n3A_251 : vector<16xi1>, vector<16xi32>
      %select_n3A_253 = arith.select %gt3A_248, %get3A_126, %select_n3A_244 : vector<16xi1>, vector<16xf32>
      %select_n3A_254 = arith.select %gt3A_247, %select_n3A_246, %select_n3A_253 : vector<16xi1>, vector<16xf32>
      %select_n3A_255 = arith.select %gt3A_247, %broadcast_in_dim3A_250, %select_n3A_245 : vector<16xi1>, vector<16xi32>
      %select_n3A_256 = arith.select %gt3A_247, %get3A_126, %select_n3A_246 : vector<16xi1>, vector<16xf32>
      %gt3A_257 = arith.cmpf ogt, %get3A_130, %select_n3A_256 : vector<16xf32>
      %gt3A_258 = arith.cmpf ogt, %get3A_130, %select_n3A_254 : vector<16xf32>
      %broadcast_in_dim3A_259 = arith.constant 12 : i32
      %broadcast_in_dim3A_260 = vector.broadcast %broadcast_in_dim3A_259 : i32 to vector<16xi32>
      %select_n3A_261 = arith.select %gt3A_258, %broadcast_in_dim3A_260, %select_n3A_252 : vector<16xi1>, vector<16xi32>
      %select_n3A_262 = arith.select %gt3A_257, %select_n3A_255, %select_n3A_261 : vector<16xi1>, vector<16xi32>
      %select_n3A_263 = arith.select %gt3A_258, %get3A_130, %select_n3A_254 : vector<16xi1>, vector<16xf32>
      %select_n3A_264 = arith.select %gt3A_257, %select_n3A_256, %select_n3A_263 : vector<16xi1>, vector<16xf32>
      %select_n3A_265 = arith.select %gt3A_257, %broadcast_in_dim3A_260, %select_n3A_255 : vector<16xi1>, vector<16xi32>
      %select_n3A_266 = arith.select %gt3A_257, %get3A_130, %select_n3A_256 : vector<16xi1>, vector<16xf32>
      %gt3A_267 = arith.cmpf ogt, %get3A_134, %select_n3A_266 : vector<16xf32>
      %gt3A_268 = arith.cmpf ogt, %get3A_134, %select_n3A_264 : vector<16xf32>
      %broadcast_in_dim3A_269 = arith.constant 13 : i32
      %broadcast_in_dim3A_270 = vector.broadcast %broadcast_in_dim3A_269 : i32 to vector<16xi32>
      %select_n3A_271 = arith.select %gt3A_268, %broadcast_in_dim3A_270, %select_n3A_262 : vector<16xi1>, vector<16xi32>
      %select_n3A_272 = arith.select %gt3A_267, %select_n3A_265, %select_n3A_271 : vector<16xi1>, vector<16xi32>
      %select_n3A_273 = arith.select %gt3A_268, %get3A_134, %select_n3A_264 : vector<16xi1>, vector<16xf32>
      %select_n3A_274 = arith.select %gt3A_267, %select_n3A_266, %select_n3A_273 : vector<16xi1>, vector<16xf32>
      %select_n3A_275 = arith.select %gt3A_267, %broadcast_in_dim3A_270, %select_n3A_265 : vector<16xi1>, vector<16xi32>
      %select_n3A_276 = arith.select %gt3A_267, %get3A_134, %select_n3A_266 : vector<16xi1>, vector<16xf32>
      %gt3A_277 = arith.cmpf ogt, %get3A_138, %select_n3A_276 : vector<16xf32>
      %gt3A_278 = arith.cmpf ogt, %get3A_138, %select_n3A_274 : vector<16xf32>
      %broadcast_in_dim3A_279 = arith.constant 14 : i32
      %broadcast_in_dim3A_280 = vector.broadcast %broadcast_in_dim3A_279 : i32 to vector<16xi32>
      %select_n3A_281 = arith.select %gt3A_278, %broadcast_in_dim3A_280, %select_n3A_272 : vector<16xi1>, vector<16xi32>
      %select_n3A_282 = arith.select %gt3A_277, %select_n3A_275, %select_n3A_281 : vector<16xi1>, vector<16xi32>
      %select_n3A_283 = arith.select %gt3A_278, %get3A_138, %select_n3A_274 : vector<16xi1>, vector<16xf32>
      %select_n3A_284 = arith.select %gt3A_277, %select_n3A_276, %select_n3A_283 : vector<16xi1>, vector<16xf32>
      %select_n3A_285 = arith.select %gt3A_277, %broadcast_in_dim3A_280, %select_n3A_275 : vector<16xi1>, vector<16xi32>
      %select_n3A_286 = arith.select %gt3A_277, %get3A_138, %select_n3A_276 : vector<16xi1>, vector<16xf32>
      %gt3A_287 = arith.cmpf ogt, %get3A_142, %select_n3A_286 : vector<16xf32>
      %gt3A_288 = arith.cmpf ogt, %get3A_142, %select_n3A_284 : vector<16xf32>
      %broadcast_in_dim3A_289 = arith.constant 15 : i32
      %broadcast_in_dim3A_290 = vector.broadcast %broadcast_in_dim3A_289 : i32 to vector<16xi32>
      %select_n3A_291 = arith.select %gt3A_288, %broadcast_in_dim3A_290, %select_n3A_282 : vector<16xi1>, vector<16xi32>
      %select_n3A_292 = arith.select %gt3A_287, %select_n3A_285, %select_n3A_291 : vector<16xi1>, vector<16xi32>
      %select_n3A_293 = arith.select %gt3A_288, %get3A_142, %select_n3A_284 : vector<16xi1>, vector<16xf32>
      %select_n3A_294 = arith.select %gt3A_287, %select_n3A_286, %select_n3A_293 : vector<16xi1>, vector<16xf32>
      %select_n3A_295 = arith.select %gt3A_287, %broadcast_in_dim3A_290, %select_n3A_285 : vector<16xi1>, vector<16xi32>
      %select_n3A_296 = arith.select %gt3A_287, %get3A_142, %select_n3A_286 : vector<16xi1>, vector<16xf32>
      %sub3A_297 = arith.subf %select_n3A_294, %select_n3A_296 : vector<16xf32>
      %exp3A = math.exp %sub3A_297 : vector<16xf32>
      %add3A_298 = arith.constant 1.000000e+00 : f32
      %add3A_299 = vector.broadcast %add3A_298 : f32 to vector<16xf32>
      %add3A_300 = arith.addf %add3A_299, %exp3A : vector<16xf32>
      %div3A_301 = arith.constant 1.000000e+00 : f32
      %div3A_302 = vector.broadcast %div3A_301 : f32 to vector<16xf32>
      %div3A_303 = arith.divf %div3A_302, %add3A_300 : vector<16xf32>
      %div3A_304 = arith.divf %exp3A, %add3A_300 : vector<16xf32>
      %eq3A_305 = arith.constant 0 : i32
      %eq3A_306 = vector.broadcast %eq3A_305 : i32 to vector<16xi32>
      %eq3A_307 = arith.cmpi eq, %select_n3A_295, %eq3A_306 : vector<16xi32>
      %jit3A_308 = arith.constant 0.000000e+00 : f32
      %broadcast_in_dim3A_309 = vector.broadcast %jit3A_308 : f32 to vector<16xf32>
      %select_n3A_310 = arith.select %eq3A_307, %div3A_303, %broadcast_in_dim3A_309 : vector<16xi1>, vector<16xf32>
      %eq3A_311 = arith.constant 0 : i32
      %eq3A_312 = vector.broadcast %eq3A_311 : i32 to vector<16xi32>
      %eq3A_313 = arith.cmpi eq, %select_n3A_292, %eq3A_312 : vector<16xi32>
      %jit3A_314 = arith.constant 0.000000e+00 : f32
      %broadcast_in_dim3A_315 = vector.broadcast %jit3A_314 : f32 to vector<16xf32>
      %select_n3A_316 = arith.select %eq3A_313, %div3A_304, %broadcast_in_dim3A_315 : vector<16xi1>, vector<16xf32>
      %add3A_317 = arith.addf %select_n3A_310, %select_n3A_316 : vector<16xf32>
      %swap3A = arith.constant 0 : i32
      %swap3A_318 = arith.index_cast %swap3A : i32 to index
      %swap3A_319 = arith.index_cast %mul3A_79 : i32 to index
      %swap3A_320 = tpu.vector_load %arg7[%swap3A_318, %swap3A_319] {strides = array<i32>} : memref<16x512xf32, #tpu.memory_space<vmem>>, vector<16xf32>,
      tpu.vector_store %arg7[%swap3A_318, %swap3A_319], %add3A_317 {strides = array<i32>} : memref<16x512xf32, #tpu.memory_space<vmem>>, vector<16xf32>,
      %eq3A_321 = arith.constant 1 : i32
      %eq3A_322 = vector.broadcast %eq3A_321 : i32 to vector<16xi32>
      %eq3A_323 = arith.cmpi eq, %select_n3A_295, %eq3A_322 : vector<16xi32>
      %jit3A_324 = arith.constant 0.000000e+00 : f32
      %broadcast_in_dim3A_325 = vector.broadcast %jit3A_324 : f32 to vector<16xf32>
      %select_n3A_326 = arith.select %eq3A_323, %div3A_303, %broadcast_in_dim3A_325 : vector<16xi1>, vector<16xf32>
      %eq3A_327 = arith.constant 1 : i32
      %eq3A_328 = vector.broadcast %eq3A_327 : i32 to vector<16xi32>
      %eq3A_329 = arith.cmpi eq, %select_n3A_292, %eq3A_328 : vector<16xi32>
      %jit3A_330 = arith.constant 0.000000e+00 : f32
      %broadcast_in_dim3A_331 = vector.broadcast %jit3A_330 : f32 to vector<16xf32>
      %select_n3A_332 = arith.select %eq3A_329, %div3A_304, %broadcast_in_dim3A_331 : vector<16xi1>, vector<16xf32>
      %add3A_333 = arith.addf %select_n3A_326, %select_n3A_332 : vector<16xf32>
      %swap3A_334 = arith.constant 1 : i32
      %swap3A_335 = arith.index_cast %swap3A_334 : i32 to index
      %swap3A_336 = arith.index_cast %mul3A_79 : i32 to index
      %swap3A_337 = tpu.vector_load %arg7[%swap3A_335, %swap3A_336] {strides = array<i32>} : memref<16x512xf32, #tpu.memory_space<vmem>>, vector<16xf32>,
      tpu.vector_store %arg7[%swap3A_335, %swap3A_336], %add3A_333 {strides = array<i32>} : memref<16x512xf32, #tpu.memory_space<vmem>>, vector<16xf32>,
      %eq3A_338 = arith.constant 2 : i32
      %eq3A_339 = vector.broadcast %eq3A_338 : i32 to vector<16xi32>
      %eq3A_340 = arith.cmpi eq, %select_n3A_295, %eq3A_339 : vector<16xi32>
      %jit3A_341 = arith.constant 0.000000e+00 : f32
      %broadcast_in_dim3A_342 = vector.broadcast %jit3A_341 : f32 to vector<16xf32>
      %select_n3A_343 = arith.select %eq3A_340, %div3A_303, %broadcast_in_dim3A_342 : vector<16xi1>, vector<16xf32>
      %eq3A_344 = arith.constant 2 : i32
      %eq3A_345 = vector.broadcast %eq3A_344 : i32 to vector<16xi32>
      %eq3A_346 = arith.cmpi eq, %select_n3A_292, %eq3A_345 : vector<16xi32>
      %jit3A_347 = arith.constant 0.000000e+00 : f32
      %broadcast_in_dim3A_348 = vector.broadcast %jit3A_347 : f32 to vector<16xf32>
      %select_n3A_349 = arith.select %eq3A_346, %div3A_304, %broadcast_in_dim3A_348 : vector<16xi1>, vector<16xf32>
      %add3A_350 = arith.addf %select_n3A_343, %select_n3A_349 : vector<16xf32>
      %swap3A_351 = arith.constant 2 : i32
      %swap3A_352 = arith.index_cast %swap3A_351 : i32 to index
      %swap3A_353 = arith.index_cast %mul3A_79 : i32 to index
      %swap3A_354 = tpu.vector_load %arg7[%swap3A_352, %swap3A_353] {strides = array<i32>} : memref<16x512xf32, #tpu.memory_space<vmem>>, vector<16xf32>,
      tpu.vector_store %arg7[%swap3A_352, %swap3A_353], %add3A_350 {strides = array<i32>} : memref<16x512xf32, #tpu.memory_space<vmem>>, vector<16xf32>,
      %eq3A_355 = arith.constant 3 : i32
      %eq3A_356 = vector.broadcast %eq3A_355 : i32 to vector<16xi32>
      %eq3A_357 = arith.cmpi eq, %select_n3A_295, %eq3A_356 : vector<16xi32>
      %jit3A_358 = arith.constant 0.000000e+00 : f32
      %broadcast_in_dim3A_359 = vector.broadcast %jit3A_358 : f32 to vector<16xf32>
      %select_n3A_360 = arith.select %eq3A_357, %div3A_303, %broadcast_in_dim3A_359 : vector<16xi1>, vector<16xf32>
      %eq3A_361 = arith.constant 3 : i32
      %eq3A_362 = vector.broadcast %eq3A_361 : i32 to vector<16xi32>
      %eq3A_363 = arith.cmpi eq, %select_n3A_292, %eq3A_362 : vector<16xi32>
      %jit3A_364 = arith.constant 0.000000e+00 : f32
      %broadcast_in_dim3A_365 = vector.broadcast %jit3A_364 : f32 to vector<16xf32>
      %select_n3A_366 = arith.select %eq3A_363, %div3A_304, %broadcast_in_dim3A_365 : vector<16xi1>, vector<16xf32>
      %add3A_367 = arith.addf %select_n3A_360, %select_n3A_366 : vector<16xf32>
      %swap3A_368 = arith.constant 3 : i32
      %swap3A_369 = arith.index_cast %swap3A_368 : i32 to index
      %swap3A_370 = arith.index_cast %mul3A_79 : i32 to index
      %swap3A_371 = tpu.vector_load %arg7[%swap3A_369, %swap3A_370] {strides = array<i32>} : memref<16x512xf32, #tpu.memory_space<vmem>>, vector<16xf32>,
      tpu.vector_store %arg7[%swap3A_369, %swap3A_370], %add3A_367 {strides = array<i32>} : memref<16x512xf32, #tpu.memory_space<vmem>>, vector<16xf32>,
      %eq3A_372 = arith.constant 4 : i32
      %eq3A_373 = vector.broadcast %eq3A_372 : i32 to vector<16xi32>
      %eq3A_374 = arith.cmpi eq, %select_n3A_295, %eq3A_373 : vector<16xi32>
      %jit3A_375 = arith.constant 0.000000e+00 : f32
      %broadcast_in_dim3A_376 = vector.broadcast %jit3A_375 : f32 to vector<16xf32>
      %select_n3A_377 = arith.select %eq3A_374, %div3A_303, %broadcast_in_dim3A_376 : vector<16xi1>, vector<16xf32>
      %eq3A_378 = arith.constant 4 : i32
      %eq3A_379 = vector.broadcast %eq3A_378 : i32 to vector<16xi32>
      %eq3A_380 = arith.cmpi eq, %select_n3A_292, %eq3A_379 : vector<16xi32>
      %jit3A_381 = arith.constant 0.000000e+00 : f32
      %broadcast_in_dim3A_382 = vector.broadcast %jit3A_381 : f32 to vector<16xf32>
      %select_n3A_383 = arith.select %eq3A_380, %div3A_304, %broadcast_in_dim3A_382 : vector<16xi1>, vector<16xf32>
      %add3A_384 = arith.addf %select_n3A_377, %select_n3A_383 : vector<16xf32>
      %swap3A_385 = arith.constant 4 : i32
      %swap3A_386 = arith.index_cast %swap3A_385 : i32 to index
      %swap3A_387 = arith.index_cast %mul3A_79 : i32 to index
      %swap3A_388 = tpu.vector_load %arg7[%swap3A_386, %swap3A_387] {strides = array<i32>} : memref<16x512xf32, #tpu.memory_space<vmem>>, vector<16xf32>,
      tpu.vector_store %arg7[%swap3A_386, %swap3A_387], %add3A_384 {strides = array<i32>} : memref<16x512xf32, #tpu.memory_space<vmem>>, vector<16xf32>,
      %eq3A_389 = arith.constant 5 : i32
      %eq3A_390 = vector.broadcast %eq3A_389 : i32 to vector<16xi32>
      %eq3A_391 = arith.cmpi eq, %select_n3A_295, %eq3A_390 : vector<16xi32>
      %jit3A_392 = arith.constant 0.000000e+00 : f32
      %broadcast_in_dim3A_393 = vector.broadcast %jit3A_392 : f32 to vector<16xf32>
      %select_n3A_394 = arith.select %eq3A_391, %div3A_303, %broadcast_in_dim3A_393 : vector<16xi1>, vector<16xf32>
      %eq3A_395 = arith.constant 5 : i32
      %eq3A_396 = vector.broadcast %eq3A_395 : i32 to vector<16xi32>
      %eq3A_397 = arith.cmpi eq, %select_n3A_292, %eq3A_396 : vector<16xi32>
      %jit3A_398 = arith.constant 0.000000e+00 : f32
      %broadcast_in_dim3A_399 = vector.broadcast %jit3A_398 : f32 to vector<16xf32>
      %select_n3A_400 = arith.select %eq3A_397, %div3A_304, %broadcast_in_dim3A_399 : vector<16xi1>, vector<16xf32>
      %add3A_401 = arith.addf %select_n3A_394, %select_n3A_400 : vector<16xf32>
      %swap3A_402 = arith.constant 5 : i32
      %swap3A_403 = arith.index_cast %swap3A_402 : i32 to index
      %swap3A_404 = arith.index_cast %mul3A_79 : i32 to index
      %swap3A_405 = tpu.vector_load %arg7[%swap3A_403, %swap3A_404] {strides = array<i32>} : memref<16x512xf32, #tpu.memory_space<vmem>>, vector<16xf32>,
      tpu.vector_store %arg7[%swap3A_403, %swap3A_404], %add3A_401 {strides = array<i32>} : memref<16x512xf32, #tpu.memory_space<vmem>>, vector<16xf32>,
      %eq3A_406 = arith.constant 6 : i32
      %eq3A_407 = vector.broadcast %eq3A_406 : i32 to vector<16xi32>
      %eq3A_408 = arith.cmpi eq, %select_n3A_295, %eq3A_407 : vector<16xi32>
      %jit3A_409 = arith.constant 0.000000e+00 : f32
      %broadcast_in_dim3A_410 = vector.broadcast %jit3A_409 : f32 to vector<16xf32>
      %select_n3A_411 = arith.select %eq3A_408, %div3A_303, %broadcast_in_dim3A_410 : vector<16xi1>, vector<16xf32>
      %eq3A_412 = arith.constant 6 : i32
      %eq3A_413 = vector.broadcast %eq3A_412 : i32 to vector<16xi32>
      %eq3A_414 = arith.cmpi eq, %select_n3A_292, %eq3A_413 : vector<16xi32>
      %jit3A_415 = arith.constant 0.000000e+00 : f32
      %broadcast_in_dim3A_416 = vector.broadcast %jit3A_415 : f32 to vector<16xf32>
      %select_n3A_417 = arith.select %eq3A_414, %div3A_304, %broadcast_in_dim3A_416 : vector<16xi1>, vector<16xf32>
      %add3A_418 = arith.addf %select_n3A_411, %select_n3A_417 : vector<16xf32>
      %swap3A_419 = arith.constant 6 : i32
      %swap3A_420 = arith.index_cast %swap3A_419 : i32 to index
      %swap3A_421 = arith.index_cast %mul3A_79 : i32 to index
      %swap3A_422 = tpu.vector_load %arg7[%swap3A_420, %swap3A_421] {strides = array<i32>} : memref<16x512xf32, #tpu.memory_space<vmem>>, vector<16xf32>,
      tpu.vector_store %arg7[%swap3A_420, %swap3A_421], %add3A_418 {strides = array<i32>} : memref<16x512xf32, #tpu.memory_space<vmem>>, vector<16xf32>,
      %eq3A_423 = arith.constant 7 : i32
      %eq3A_424 = vector.broadcast %eq3A_423 : i32 to vector<16xi32>
      %eq3A_425 = arith.cmpi eq, %select_n3A_295, %eq3A_424 : vector<16xi32>
      %jit3A_426 = arith.constant 0.000000e+00 : f32
      %broadcast_in_dim3A_427 = vector.broadcast %jit3A_426 : f32 to vector<16xf32>
      %select_n3A_428 = arith.select %eq3A_425, %div3A_303, %broadcast_in_dim3A_427 : vector<16xi1>, vector<16xf32>
      %eq3A_429 = arith.constant 7 : i32
      %eq3A_430 = vector.broadcast %eq3A_429 : i32 to vector<16xi32>
      %eq3A_431 = arith.cmpi eq, %select_n3A_292, %eq3A_430 : vector<16xi32>
      %jit3A_432 = arith.constant 0.000000e+00 : f32
      %broadcast_in_dim3A_433 = vector.broadcast %jit3A_432 : f32 to vector<16xf32>
      %select_n3A_434 = arith.select %eq3A_431, %div3A_304, %broadcast_in_dim3A_433 : vector<16xi1>, vector<16xf32>
      %add3A_435 = arith.addf %select_n3A_428, %select_n3A_434 : vector<16xf32>
      %swap3A_436 = arith.constant 7 : i32
      %swap3A_437 = arith.index_cast %swap3A_436 : i32 to index
      %swap3A_438 = arith.index_cast %mul3A_79 : i32 to index
      %swap3A_439 = tpu.vector_load %arg7[%swap3A_437, %swap3A_438] {strides = array<i32>} : memref<16x512xf32, #tpu.memory_space<vmem>>, vector<16xf32>,
      tpu.vector_store %arg7[%swap3A_437, %swap3A_438], %add3A_435 {strides = array<i32>} : memref<16x512xf32, #tpu.memory_space<vmem>>, vector<16xf32>,
      %eq3A_440 = arith.constant 8 : i32
      %eq3A_441 = vector.broadcast %eq3A_440 : i32 to vector<16xi32>
      %eq3A_442 = arith.cmpi eq, %select_n3A_295, %eq3A_441 : vector<16xi32>
      %jit3A_443 = arith.constant 0.000000e+00 : f32
      %broadcast_in_dim3A_444 = vector.broadcast %jit3A_443 : f32 to vector<16xf32>
      %select_n3A_445 = arith.select %eq3A_442, %div3A_303, %broadcast_in_dim3A_444 : vector<16xi1>, vector<16xf32>
      %eq3A_446 = arith.constant 8 : i32
      %eq3A_447 = vector.broadcast %eq3A_446 : i32 to vector<16xi32>
      %eq3A_448 = arith.cmpi eq, %select_n3A_292, %eq3A_447 : vector<16xi32>
      %jit3A_449 = arith.constant 0.000000e+00 : f32
      %broadcast_in_dim3A_450 = vector.broadcast %jit3A_449 : f32 to vector<16xf32>
      %select_n3A_451 = arith.select %eq3A_448, %div3A_304, %broadcast_in_dim3A_450 : vector<16xi1>, vector<16xf32>
      %add3A_452 = arith.addf %select_n3A_445, %select_n3A_451 : vector<16xf32>
      %swap3A_453 = arith.constant 8 : i32
      %swap3A_454 = arith.index_cast %swap3A_453 : i32 to index
      %swap3A_455 = arith.index_cast %mul3A_79 : i32 to index
      %swap3A_456 = tpu.vector_load %arg7[%swap3A_454, %swap3A_455] {strides = array<i32>} : memref<16x512xf32, #tpu.memory_space<vmem>>, vector<16xf32>,
      tpu.vector_store %arg7[%swap3A_454, %swap3A_455], %add3A_452 {strides = array<i32>} : memref<16x512xf32, #tpu.memory_space<vmem>>, vector<16xf32>,
      %eq3A_457 = arith.constant 9 : i32
      %eq3A_458 = vector.broadcast %eq3A_457 : i32 to vector<16xi32>
      %eq3A_459 = arith.cmpi eq, %select_n3A_295, %eq3A_458 : vector<16xi32>
      %jit3A_460 = arith.constant 0.000000e+00 : f32
      %broadcast_in_dim3A_461 = vector.broadcast %jit3A_460 : f32 to vector<16xf32>
      %select_n3A_462 = arith.select %eq3A_459, %div3A_303, %broadcast_in_dim3A_461 : vector<16xi1>, vector<16xf32>
      %eq3A_463 = arith.constant 9 : i32
      %eq3A_464 = vector.broadcast %eq3A_463 : i32 to vector<16xi32>
      %eq3A_465 = arith.cmpi eq, %select_n3A_292, %eq3A_464 : vector<16xi32>
      %jit3A_466 = arith.constant 0.000000e+00 : f32
      %broadcast_in_dim3A_467 = vector.broadcast %jit3A_466 : f32 to vector<16xf32>
      %select_n3A_468 = arith.select %eq3A_465, %div3A_304, %broadcast_in_dim3A_467 : vector<16xi1>, vector<16xf32>
      %add3A_469 = arith.addf %select_n3A_462, %select_n3A_468 : vector<16xf32>
      %swap3A_470 = arith.constant 9 : i32
      %swap3A_471 = arith.index_cast %swap3A_470 : i32 to index
      %swap3A_472 = arith.index_cast %mul3A_79 : i32 to index
      %swap3A_473 = tpu.vector_load %arg7[%swap3A_471, %swap3A_472] {strides = array<i32>} : memref<16x512xf32, #tpu.memory_space<vmem>>, vector<16xf32>,
      tpu.vector_store %arg7[%swap3A_471, %swap3A_472], %add3A_469 {strides = array<i32>} : memref<16x512xf32, #tpu.memory_space<vmem>>, vector<16xf32>,
      %eq3A_474 = arith.constant 10 : i32
      %eq3A_475 = vector.broadcast %eq3A_474 : i32 to vector<16xi32>
      %eq3A_476 = arith.cmpi eq, %select_n3A_295, %eq3A_475 : vector<16xi32>
      %jit3A_477 = arith.constant 0.000000e+00 : f32
      %broadcast_in_dim3A_478 = vector.broadcast %jit3A_477 : f32 to vector<16xf32>
      %select_n3A_479 = arith.select %eq3A_476, %div3A_303, %broadcast_in_dim3A_478 : vector<16xi1>, vector<16xf32>
      %eq3A_480 = arith.constant 10 : i32
      %eq3A_481 = vector.broadcast %eq3A_480 : i32 to vector<16xi32>
      %eq3A_482 = arith.cmpi eq, %select_n3A_292, %eq3A_481 : vector<16xi32>
      %jit3A_483 = arith.constant 0.000000e+00 : f32
      %broadcast_in_dim3A_484 = vector.broadcast %jit3A_483 : f32 to vector<16xf32>
      %select_n3A_485 = arith.select %eq3A_482, %div3A_304, %broadcast_in_dim3A_484 : vector<16xi1>, vector<16xf32>
      %add3A_486 = arith.addf %select_n3A_479, %select_n3A_485 : vector<16xf32>
      %swap3A_487 = arith.constant 10 : i32
      %swap3A_488 = arith.index_cast %swap3A_487 : i32 to index
      %swap3A_489 = arith.index_cast %mul3A_79 : i32 to index
      %swap3A_490 = tpu.vector_load %arg7[%swap3A_488, %swap3A_489] {strides = array<i32>} : memref<16x512xf32, #tpu.memory_space<vmem>>, vector<16xf32>,
      tpu.vector_store %arg7[%swap3A_488, %swap3A_489], %add3A_486 {strides = array<i32>} : memref<16x512xf32, #tpu.memory_space<vmem>>, vector<16xf32>,
      %eq3A_491 = arith.constant 11 : i32
      %eq3A_492 = vector.broadcast %eq3A_491 : i32 to vector<16xi32>
      %eq3A_493 = arith.cmpi eq, %select_n3A_295, %eq3A_492 : vector<16xi32>
      %jit3A_494 = arith.constant 0.000000e+00 : f32
      %broadcast_in_dim3A_495 = vector.broadcast %jit3A_494 : f32 to vector<16xf32>
      %select_n3A_496 = arith.select %eq3A_493, %div3A_303, %broadcast_in_dim3A_495 : vector<16xi1>, vector<16xf32>
      %eq3A_497 = arith.constant 11 : i32
      %eq3A_498 = vector.broadcast %eq3A_497 : i32 to vector<16xi32>
      %eq3A_499 = arith.cmpi eq, %select_n3A_292, %eq3A_498 : vector<16xi32>
      %jit3A_500 = arith.constant 0.000000e+00 : f32
      %broadcast_in_dim3A_501 = vector.broadcast %jit3A_500 : f32 to vector<16xf32>
      %select_n3A_502 = arith.select %eq3A_499, %div3A_304, %broadcast_in_dim3A_501 : vector<16xi1>, vector<16xf32>
      %add3A_503 = arith.addf %select_n3A_496, %select_n3A_502 : vector<16xf32>
      %swap3A_504 = arith.constant 11 : i32
      %swap3A_505 = arith.index_cast %swap3A_504 : i32 to index
      %swap3A_506 = arith.index_cast %mul3A_79 : i32 to index
      %swap3A_507 = tpu.vector_load %arg7[%swap3A_505, %swap3A_506] {strides = array<i32>} : memref<16x512xf32, #tpu.memory_space<vmem>>, vector<16xf32>,
      tpu.vector_store %arg7[%swap3A_505, %swap3A_506], %add3A_503 {strides = array<i32>} : memref<16x512xf32, #tpu.memory_space<vmem>>, vector<16xf32>,
      %eq3A_508 = arith.constant 12 : i32
      %eq3A_509 = vector.broadcast %eq3A_508 : i32 to vector<16xi32>
      %eq3A_510 = arith.cmpi eq, %select_n3A_295, %eq3A_509 : vector<16xi32>
      %jit3A_511 = arith.constant 0.000000e+00 : f32
      %broadcast_in_dim3A_512 = vector.broadcast %jit3A_511 : f32 to vector<16xf32>
      %select_n3A_513 = arith.select %eq3A_510, %div3A_303, %broadcast_in_dim3A_512 : vector<16xi1>, vector<16xf32>
      %eq3A_514 = arith.constant 12 : i32
      %eq3A_515 = vector.broadcast %eq3A_514 : i32 to vector<16xi32>
      %eq3A_516 = arith.cmpi eq, %select_n3A_292, %eq3A_515 : vector<16xi32>
      %jit3A_517 = arith.constant 0.000000e+00 : f32
      %broadcast_in_dim3A_518 = vector.broadcast %jit3A_517 : f32 to vector<16xf32>
      %select_n3A_519 = arith.select %eq3A_516, %div3A_304, %broadcast_in_dim3A_518 : vector<16xi1>, vector<16xf32>
      %add3A_520 = arith.addf %select_n3A_513, %select_n3A_519 : vector<16xf32>
      %swap3A_521 = arith.constant 12 : i32
      %swap3A_522 = arith.index_cast %swap3A_521 : i32 to index
      %swap3A_523 = arith.index_cast %mul3A_79 : i32 to index
      %swap3A_524 = tpu.vector_load %arg7[%swap3A_522, %swap3A_523] {strides = array<i32>} : memref<16x512xf32, #tpu.memory_space<vmem>>, vector<16xf32>,
      tpu.vector_store %arg7[%swap3A_522, %swap3A_523], %add3A_520 {strides = array<i32>} : memref<16x512xf32, #tpu.memory_space<vmem>>, vector<16xf32>,
      %eq3A_525 = arith.constant 13 : i32
      %eq3A_526 = vector.broadcast %eq3A_525 : i32 to vector<16xi32>
      %eq3A_527 = arith.cmpi eq, %select_n3A_295, %eq3A_526 : vector<16xi32>
      %jit3A_528 = arith.constant 0.000000e+00 : f32
      %broadcast_in_dim3A_529 = vector.broadcast %jit3A_528 : f32 to vector<16xf32>
      %select_n3A_530 = arith.select %eq3A_527, %div3A_303, %broadcast_in_dim3A_529 : vector<16xi1>, vector<16xf32>
      %eq3A_531 = arith.constant 13 : i32
      %eq3A_532 = vector.broadcast %eq3A_531 : i32 to vector<16xi32>
      %eq3A_533 = arith.cmpi eq, %select_n3A_292, %eq3A_532 : vector<16xi32>
      %jit3A_534 = arith.constant 0.000000e+00 : f32
      %broadcast_in_dim3A_535 = vector.broadcast %jit3A_534 : f32 to vector<16xf32>
      %select_n3A_536 = arith.select %eq3A_533, %div3A_304, %broadcast_in_dim3A_535 : vector<16xi1>, vector<16xf32>
      %add3A_537 = arith.addf %select_n3A_530, %select_n3A_536 : vector<16xf32>
      %swap3A_538 = arith.constant 13 : i32
      %swap3A_539 = arith.index_cast %swap3A_538 : i32 to index
      %swap3A_540 = arith.index_cast %mul3A_79 : i32 to index
      %swap3A_541 = tpu.vector_load %arg7[%swap3A_539, %swap3A_540] {strides = array<i32>} : memref<16x512xf32, #tpu.memory_space<vmem>>, vector<16xf32>,
      tpu.vector_store %arg7[%swap3A_539, %swap3A_540], %add3A_537 {strides = array<i32>} : memref<16x512xf32, #tpu.memory_space<vmem>>, vector<16xf32>,
      %eq3A_542 = arith.constant 14 : i32
      %eq3A_543 = vector.broadcast %eq3A_542 : i32 to vector<16xi32>
      %eq3A_544 = arith.cmpi eq, %select_n3A_295, %eq3A_543 : vector<16xi32>
      %jit3A_545 = arith.constant 0.000000e+00 : f32
      %broadcast_in_dim3A_546 = vector.broadcast %jit3A_545 : f32 to vector<16xf32>
      %select_n3A_547 = arith.select %eq3A_544, %div3A_303, %broadcast_in_dim3A_546 : vector<16xi1>, vector<16xf32>
      %eq3A_548 = arith.constant 14 : i32
      %eq3A_549 = vector.broadcast %eq3A_548 : i32 to vector<16xi32>
      %eq3A_550 = arith.cmpi eq, %select_n3A_292, %eq3A_549 : vector<16xi32>
      %jit3A_551 = arith.constant 0.000000e+00 : f32
      %broadcast_in_dim3A_552 = vector.broadcast %jit3A_551 : f32 to vector<16xf32>
      %select_n3A_553 = arith.select %eq3A_550, %div3A_304, %broadcast_in_dim3A_552 : vector<16xi1>, vector<16xf32>
      %add3A_554 = arith.addf %select_n3A_547, %select_n3A_553 : vector<16xf32>
      %swap3A_555 = arith.constant 14 : i32
      %swap3A_556 = arith.index_cast %swap3A_555 : i32 to index
      %swap3A_557 = arith.index_cast %mul3A_79 : i32 to index
      %swap3A_558 = tpu.vector_load %arg7[%swap3A_556, %swap3A_557] {strides = array<i32>} : memref<16x512xf32, #tpu.memory_space<vmem>>, vector<16xf32>,
      tpu.vector_store %arg7[%swap3A_556, %swap3A_557], %add3A_554 {strides = array<i32>} : memref<16x512xf32, #tpu.memory_space<vmem>>, vector<16xf32>,
      %eq3A_559 = arith.constant 15 : i32
      %eq3A_560 = vector.broadcast %eq3A_559 : i32 to vector<16xi32>
      %eq3A_561 = arith.cmpi eq, %select_n3A_295, %eq3A_560 : vector<16xi32>
      %jit3A_562 = arith.constant 0.000000e+00 : f32
      %broadcast_in_dim3A_563 = vector.broadcast %jit3A_562 : f32 to vector<16xf32>
      %select_n3A_564 = arith.select %eq3A_561, %div3A_303, %broadcast_in_dim3A_563 : vector<16xi1>, vector<16xf32>
      %eq3A_565 = arith.constant 15 : i32
      %eq3A_566 = vector.broadcast %eq3A_565 : i32 to vector<16xi32>
      %eq3A_567 = arith.cmpi eq, %select_n3A_292, %eq3A_566 : vector<16xi32>
      %jit3A_568 = arith.constant 0.000000e+00 : f32
      %broadcast_in_dim3A_569 = vector.broadcast %jit3A_568 : f32 to vector<16xf32>
      %select_n3A_570 = arith.select %eq3A_567, %div3A_304, %broadcast_in_dim3A_569 : vector<16xi1>, vector<16xf32>
      %add3A_571 = arith.addf %select_n3A_564, %select_n3A_570 : vector<16xf32>
      %swap3A_572 = arith.constant 15 : i32
      %swap3A_573 = arith.index_cast %swap3A_572 : i32 to index
      %swap3A_574 = arith.index_cast %mul3A_79 : i32 to index
      %swap3A_575 = tpu.vector_load %arg7[%swap3A_573, %swap3A_574] {strides = array<i32>} : memref<16x512xf32, #tpu.memory_space<vmem>>, vector<16xf32>,
      tpu.vector_store %arg7[%swap3A_573, %swap3A_574], %add3A_571 {strides = array<i32>} : memref<16x512xf32, #tpu.memory_space<vmem>>, vector<16xf32>,
      %swap3A_576 = arith.constant 0 : i32
      %swap3A_577 = arith.index_cast %swap3A_576 : i32 to index
      %swap3A_578 = arith.index_cast %mul3A_79 : i32 to index
      %swap3A_579 = tpu.vector_load %arg8[%swap3A_577, %swap3A_578] {strides = array<i32>} : memref<2x512xi32, #tpu.memory_space<vmem>>, vector<16xi32>,
      tpu.vector_store %arg8[%swap3A_577, %swap3A_578], %select_n3A_295 {strides = array<i32>} : memref<2x512xi32, #tpu.memory_space<vmem>>, vector<16xi32>,
      %swap3A_580 = arith.constant 1 : i32
      %swap3A_581 = arith.index_cast %swap3A_580 : i32 to index
      %swap3A_582 = arith.index_cast %mul3A_79 : i32 to index
      %swap3A_583 = tpu.vector_load %arg8[%swap3A_581, %swap3A_582] {strides = array<i32>} : memref<2x512xi32, #tpu.memory_space<vmem>>, vector<16xi32>,
      tpu.vector_store %arg8[%swap3A_581, %swap3A_582], %select_n3A_292 {strides = array<i32>} : memref<2x512xi32, #tpu.memory_space<vmem>>, vector<16xi32>,
      %swap3A_584 = arith.constant 0 : i32
      %swap3A_585 = arith.index_cast %swap3A_584 : i32 to index
      %swap3A_586 = arith.index_cast %mul3A_79 : i32 to index
      %swap3A_587 = tpu.vector_load %arg9[%swap3A_585, %swap3A_586] {strides = array<i32>} : memref<2x512xf32, #tpu.memory_space<vmem>>, vector<16xf32>,
      tpu.vector_store %arg9[%swap3A_585, %swap3A_586], %select_n3A_296 {strides = array<i32>} : memref<2x512xf32, #tpu.memory_space<vmem>>, vector<16xf32>,
      %swap3A_588 = arith.constant 1 : i32
      %swap3A_589 = arith.index_cast %swap3A_588 : i32 to index
      %swap3A_590 = arith.index_cast %mul3A_79 : i32 to index
      %swap3A_591 = tpu.vector_load %arg9[%swap3A_589, %swap3A_590] {strides = array<i32>} : memref<2x512xf32, #tpu.memory_space<vmem>>, vector<16xf32>,
      tpu.vector_store %arg9[%swap3A_589, %swap3A_590], %select_n3A_294 {strides = array<i32>} : memref<2x512xf32, #tpu.memory_space<vmem>>, vector<16xf32>,
    }
    %scan3A_37 = arith.constant 32 : i32
    %run_scoped3A = arith.constant 0 : i32
    %run_scoped3A_38 = arith.constant 0 : i32
    "tpu.region"() ({
      %run_scoped3A_77 = tpu.sem_alloc : memref<!tpu.dma_semaphore, #tpu.memory_space<semaphore_mem>>
      %dma_start3A = arith.constant 0 : i32
      %dma_start3A_78 = tpu.memref_slice %arg7[%run_scoped3A, %dma_start3A] : memref<16x512xf32, #tpu.memory_space<vmem>> -> memref<1x512xf32, #tpu.memory_space<vmem>>
      %dma_start3A_79 = tpu.memref_squeeze %dma_start3A_78 : memref<1x512xf32, #tpu.memory_space<vmem>> -> memref<512xf32, #tpu.memory_space<vmem>>
      %dma_start3A_80 = tpu.memref_slice %arg3[%select_n3A, %run_scoped3A_38, %mul3A_32] : memref<4x16x4096xf32, #tpu.memory_space<hbm>> -> memref<1x1x512xf32, #tpu.memory_space<hbm>>
      %dma_start3A_81 = tpu.memref_squeeze %dma_start3A_80 : memref<1x1x512xf32, #tpu.memory_space<hbm>> -> memref<512xf32, #tpu.memory_space<hbm>>
      %dma_start3A_82 = tpu.memref_slice %arg3[%select_n3A, %run_scoped3A_38, %mul3A_32] : memref<4x16x4096xf32, #tpu.memory_space<hbm>> -> memref<1x1x512xf32, #tpu.memory_space<hbm>>
      %dma_start3A_83 = tpu.memref_squeeze %dma_start3A_82 : memref<1x1x512xf32, #tpu.memory_space<hbm>> -> memref<512xf32, #tpu.memory_space<hbm>>
      %dma_start3A_84 = arith.constant 0 : i32
      %dma_start3A_85 = tpu.memref_slice %arg7[%run_scoped3A, %dma_start3A_84] : memref<16x512xf32, #tpu.memory_space<vmem>> -> memref<1x512xf32, #tpu.memory_space<vmem>>
      %dma_start3A_86 = tpu.memref_squeeze %dma_start3A_85 : memref<1x512xf32, #tpu.memory_space<vmem>> -> memref<512xf32, #tpu.memory_space<vmem>>
      tpu.enqueue_dma source(%dma_start3A_86 : memref<512xf32, #tpu.memory_space<vmem>>) target(%dma_start3A_83 : memref<512xf32, #tpu.memory_space<hbm>>) target_semaphore(%run_scoped3A_77 : memref<!tpu.dma_semaphore, #tpu.memory_space<semaphore_mem>>)
      %dma_wait3A = arith.constant 0 : i32
      %dma_wait3A_87 = tpu.memref_slice %arg7[%run_scoped3A, %dma_wait3A] : memref<16x512xf32, #tpu.memory_space<vmem>> -> memref<1x512xf32, #tpu.memory_space<vmem>>
      %dma_wait3A_88 = tpu.memref_squeeze %dma_wait3A_87 : memref<1x512xf32, #tpu.memory_space<vmem>> -> memref<512xf32, #tpu.memory_space<vmem>>
      %dma_wait3A_89 = tpu.memref_slice %arg3[%select_n3A, %run_scoped3A_38, %mul3A_32] : memref<4x16x4096xf32, #tpu.memory_space<hbm>> -> memref<1x1x512xf32, #tpu.memory_space<hbm>>
      %dma_wait3A_90 = tpu.memref_squeeze %dma_wait3A_89 : memref<1x1x512xf32, #tpu.memory_space<hbm>> -> memref<512xf32, #tpu.memory_space<hbm>>
      %dma_wait3A_91 = tpu.memref_slice %arg3[%select_n3A, %run_scoped3A_38, %mul3A_32] : memref<4x16x4096xf32, #tpu.memory_space<hbm>> -> memref<1x1x512xf32, #tpu.memory_space<hbm>>
      %dma_wait3A_92 = tpu.memref_squeeze %dma_wait3A_91 : memref<1x1x512xf32, #tpu.memory_space<hbm>> -> memref<512xf32, #tpu.memory_space<hbm>>
      %dma_wait3A_93 = arith.constant 0 : i32
      %dma_wait3A_94 = tpu.memref_slice %arg7[%run_scoped3A, %dma_wait3A_93] : memref<16x512xf32, #tpu.memory_space<vmem>> -> memref<1x512xf32, #tpu.memory_space<vmem>>
      %dma_wait3A_95 = tpu.memref_squeeze %dma_wait3A_94 : memref<1x512xf32, #tpu.memory_space<vmem>> -> memref<512xf32, #tpu.memory_space<vmem>>
      tpu.wait_dma2 semaphore(%run_scoped3A_77 : memref<!tpu.dma_semaphore, #tpu.memory_space<semaphore_mem>>) src(%dma_wait3A_95 : memref<512xf32, #tpu.memory_space<vmem>>) dst(%dma_wait3A_92 : memref<512xf32, #tpu.memory_space<hbm>>)
      tpu.yield
    }) : () -> ()
    %run_scoped3A_39 = arith.constant 1 : i32
    %run_scoped3A_40 = arith.constant 1 : i32
    "tpu.region"() ({
      %run_scoped3A_77 = tpu.sem_alloc : memref<!tpu.dma_semaphore, #tpu.memory_space<semaphore_mem>>
      %dma_start3A = arith.constant 0 : i32
      %dma_start3A_78 = tpu.memref_slice %arg7[%run_scoped3A_39, %dma_start3A] : memref<16x512xf32, #tpu.memory_space<vmem>> -> memref<1x512xf32, #tpu.memory_space<vmem>>
      %dma_start3A_79 = tpu.memref_squeeze %dma_start3A_78 : memref<1x512xf32, #tpu.memory_space<vmem>> -> memref<512xf32, #tpu.memory_space<vmem>>
      %dma_start3A_80 = tpu.memref_slice %arg3[%select_n3A, %run_scoped3A_40, %mul3A_32] : memref<4x16x4096xf32, #tpu.memory_space<hbm>> -> memref<1x1x512xf32, #tpu.memory_space<hbm>>
      %dma_start3A_81 = tpu.memref_squeeze %dma_start3A_80 : memref<1x1x512xf32, #tpu.memory_space<hbm>> -> memref<512xf32, #tpu.memory_space<hbm>>
      %dma_start3A_82 = tpu.memref_slice %arg3[%select_n3A, %run_scoped3A_40, %mul3A_32] : memref<4x16x4096xf32, #tpu.memory_space<hbm>> -> memref<1x1x512xf32, #tpu.memory_space<hbm>>
      %dma_start3A_83 = tpu.memref_squeeze %dma_start3A_82 : memref<1x1x512xf32, #tpu.memory_space<hbm>> -> memref<512xf32, #tpu.memory_space<hbm>>
      %dma_start3A_84 = arith.constant 0 : i32
      %dma_start3A_85 = tpu.memref_slice %arg7[%run_scoped3A_39, %dma_start3A_84] : memref<16x512xf32, #tpu.memory_space<vmem>> -> memref<1x512xf32, #tpu.memory_space<vmem>>
      %dma_start3A_86 = tpu.memref_squeeze %dma_start3A_85 : memref<1x512xf32, #tpu.memory_space<vmem>> -> memref<512xf32, #tpu.memory_space<vmem>>
      tpu.enqueue_dma source(%dma_start3A_86 : memref<512xf32, #tpu.memory_space<vmem>>) target(%dma_start3A_83 : memref<512xf32, #tpu.memory_space<hbm>>) target_semaphore(%run_scoped3A_77 : memref<!tpu.dma_semaphore, #tpu.memory_space<semaphore_mem>>)
      %dma_wait3A = arith.constant 0 : i32
      %dma_wait3A_87 = tpu.memref_slice %arg7[%run_scoped3A_39, %dma_wait3A] : memref<16x512xf32, #tpu.memory_space<vmem>> -> memref<1x512xf32, #tpu.memory_space<vmem>>
      %dma_wait3A_88 = tpu.memref_squeeze %dma_wait3A_87 : memref<1x512xf32, #tpu.memory_space<vmem>> -> memref<512xf32, #tpu.memory_space<vmem>>
      %dma_wait3A_89 = tpu.memref_slice %arg3[%select_n3A, %run_scoped3A_40, %mul3A_32] : memref<4x16x4096xf32, #tpu.memory_space<hbm>> -> memref<1x1x512xf32, #tpu.memory_space<hbm>>
      %dma_wait3A_90 = tpu.memref_squeeze %dma_wait3A_89 : memref<1x1x512xf32, #tpu.memory_space<hbm>> -> memref<512xf32, #tpu.memory_space<hbm>>
      %dma_wait3A_91 = tpu.memref_slice %arg3[%select_n3A, %run_scoped3A_40, %mul3A_32] : memref<4x16x4096xf32, #tpu.memory_space<hbm>> -> memref<1x1x512xf32, #tpu.memory_space<hbm>>
      %dma_wait3A_92 = tpu.memref_squeeze %dma_wait3A_91 : memref<1x1x512xf32, #tpu.memory_space<hbm>> -> memref<512xf32, #tpu.memory_space<hbm>>
      %dma_wait3A_93 = arith.constant 0 : i32
      %dma_wait3A_94 = tpu.memref_slice %arg7[%run_scoped3A_39, %dma_wait3A_93] : memref<16x512xf32, #tpu.memory_space<vmem>> -> memref<1x512xf32, #tpu.memory_space<vmem>>
      %dma_wait3A_95 = tpu.memref_squeeze %dma_wait3A_94 : memref<1x512xf32, #tpu.memory_space<vmem>> -> memref<512xf32, #tpu.memory_space<vmem>>
      tpu.wait_dma2 semaphore(%run_scoped3A_77 : memref<!tpu.dma_semaphore, #tpu.memory_space<semaphore_mem>>) src(%dma_wait3A_95 : memref<512xf32, #tpu.memory_space<vmem>>) dst(%dma_wait3A_92 : memref<512xf32, #tpu.memory_space<hbm>>)
      tpu.yield
    }) : () -> ()
    %run_scoped3A_41 = arith.constant 2 : i32
    %run_scoped3A_42 = arith.constant 2 : i32
    "tpu.region"() ({
      %run_scoped3A_77 = tpu.sem_alloc : memref<!tpu.dma_semaphore, #tpu.memory_space<semaphore_mem>>
      %dma_start3A = arith.constant 0 : i32
      %dma_start3A_78 = tpu.memref_slice %arg7[%run_scoped3A_41, %dma_start3A] : memref<16x512xf32, #tpu.memory_space<vmem>> -> memref<1x512xf32, #tpu.memory_space<vmem>>
      %dma_start3A_79 = tpu.memref_squeeze %dma_start3A_78 : memref<1x512xf32, #tpu.memory_space<vmem>> -> memref<512xf32, #tpu.memory_space<vmem>>
      %dma_start3A_80 = tpu.memref_slice %arg3[%select_n3A, %run_scoped3A_42, %mul3A_32] : memref<4x16x4096xf32, #tpu.memory_space<hbm>> -> memref<1x1x512xf32, #tpu.memory_space<hbm>>
      %dma_start3A_81 = tpu.memref_squeeze %dma_start3A_80 : memref<1x1x512xf32, #tpu.memory_space<hbm>> -> memref<512xf32, #tpu.memory_space<hbm>>
      %dma_start3A_82 = tpu.memref_slice %arg3[%select_n3A, %run_scoped3A_42, %mul3A_32] : memref<4x16x4096xf32, #tpu.memory_space<hbm>> -> memref<1x1x512xf32, #tpu.memory_space<hbm>>
      %dma_start3A_83 = tpu.memref_squeeze %dma_start3A_82 : memref<1x1x512xf32, #tpu.memory_space<hbm>> -> memref<512xf32, #tpu.memory_space<hbm>>
      %dma_start3A_84 = arith.constant 0 : i32
      %dma_start3A_85 = tpu.memref_slice %arg7[%run_scoped3A_41, %dma_start3A_84] : memref<16x512xf32, #tpu.memory_space<vmem>> -> memref<1x512xf32, #tpu.memory_space<vmem>>
      %dma_start3A_86 = tpu.memref_squeeze %dma_start3A_85 : memref<1x512xf32, #tpu.memory_space<vmem>> -> memref<512xf32, #tpu.memory_space<vmem>>
      tpu.enqueue_dma source(%dma_start3A_86 : memref<512xf32, #tpu.memory_space<vmem>>) target(%dma_start3A_83 : memref<512xf32, #tpu.memory_space<hbm>>) target_semaphore(%run_scoped3A_77 : memref<!tpu.dma_semaphore, #tpu.memory_space<semaphore_mem>>)
      %dma_wait3A = arith.constant 0 : i32
      %dma_wait3A_87 = tpu.memref_slice %arg7[%run_scoped3A_41, %dma_wait3A] : memref<16x512xf32, #tpu.memory_space<vmem>> -> memref<1x512xf32, #tpu.memory_space<vmem>>
      %dma_wait3A_88 = tpu.memref_squeeze %dma_wait3A_87 : memref<1x512xf32, #tpu.memory_space<vmem>> -> memref<512xf32, #tpu.memory_space<vmem>>
      %dma_wait3A_89 = tpu.memref_slice %arg3[%select_n3A, %run_scoped3A_42, %mul3A_32] : memref<4x16x4096xf32, #tpu.memory_space<hbm>> -> memref<1x1x512xf32, #tpu.memory_space<hbm>>
      %dma_wait3A_90 = tpu.memref_squeeze %dma_wait3A_89 : memref<1x1x512xf32, #tpu.memory_space<hbm>> -> memref<512xf32, #tpu.memory_space<hbm>>
      %dma_wait3A_91 = tpu.memref_slice %arg3[%select_n3A, %run_scoped3A_42, %mul3A_32] : memref<4x16x4096xf32, #tpu.memory_space<hbm>> -> memref<1x1x512xf32, #tpu.memory_space<hbm>>
      %dma_wait3A_92 = tpu.memref_squeeze %dma_wait3A_91 : memref<1x1x512xf32, #tpu.memory_space<hbm>> -> memref<512xf32, #tpu.memory_space<hbm>>
      %dma_wait3A_93 = arith.constant 0 : i32
      %dma_wait3A_94 = tpu.memref_slice %arg7[%run_scoped3A_41, %dma_wait3A_93] : memref<16x512xf32, #tpu.memory_space<vmem>> -> memref<1x512xf32, #tpu.memory_space<vmem>>
      %dma_wait3A_95 = tpu.memref_squeeze %dma_wait3A_94 : memref<1x512xf32, #tpu.memory_space<vmem>> -> memref<512xf32, #tpu.memory_space<vmem>>
      tpu.wait_dma2 semaphore(%run_scoped3A_77 : memref<!tpu.dma_semaphore, #tpu.memory_space<semaphore_mem>>) src(%dma_wait3A_95 : memref<512xf32, #tpu.memory_space<vmem>>) dst(%dma_wait3A_92 : memref<512xf32, #tpu.memory_space<hbm>>)
      tpu.yield
    }) : () -> ()
    %run_scoped3A_43 = arith.constant 3 : i32
    %run_scoped3A_44 = arith.constant 3 : i32
    "tpu.region"() ({
      %run_scoped3A_77 = tpu.sem_alloc : memref<!tpu.dma_semaphore, #tpu.memory_space<semaphore_mem>>
      %dma_start3A = arith.constant 0 : i32
      %dma_start3A_78 = tpu.memref_slice %arg7[%run_scoped3A_43, %dma_start3A] : memref<16x512xf32, #tpu.memory_space<vmem>> -> memref<1x512xf32, #tpu.memory_space<vmem>>
      %dma_start3A_79 = tpu.memref_squeeze %dma_start3A_78 : memref<1x512xf32, #tpu.memory_space<vmem>> -> memref<512xf32, #tpu.memory_space<vmem>>
      %dma_start3A_80 = tpu.memref_slice %arg3[%select_n3A, %run_scoped3A_44, %mul3A_32] : memref<4x16x4096xf32, #tpu.memory_space<hbm>> -> memref<1x1x512xf32, #tpu.memory_space<hbm>>
      %dma_start3A_81 = tpu.memref_squeeze %dma_start3A_80 : memref<1x1x512xf32, #tpu.memory_space<hbm>> -> memref<512xf32, #tpu.memory_space<hbm>>
      %dma_start3A_82 = tpu.memref_slice %arg3[%select_n3A, %run_scoped3A_44, %mul3A_32] : memref<4x16x4096xf32, #tpu.memory_space<hbm>> -> memref<1x1x512xf32, #tpu.memory_space<hbm>>
      %dma_start3A_83 = tpu.memref_squeeze %dma_start3A_82 : memref<1x1x512xf32, #tpu.memory_space<hbm>> -> memref<512xf32, #tpu.memory_space<hbm>>
      %dma_start3A_84 = arith.constant 0 : i32
      %dma_start3A_85 = tpu.memref_slice %arg7[%run_scoped3A_43, %dma_start3A_84] : memref<16x512xf32, #tpu.memory_space<vmem>> -> memref<1x512xf32, #tpu.memory_space<vmem>>
      %dma_start3A_86 = tpu.memref_squeeze %dma_start3A_85 : memref<1x512xf32, #tpu.memory_space<vmem>> -> memref<512xf32, #tpu.memory_space<vmem>>
      tpu.enqueue_dma source(%dma_start3A_86 : memref<512xf32, #tpu.memory_space<vmem>>) target(%dma_start3A_83 : memref<512xf32, #tpu.memory_space<hbm>>) target_semaphore(%run_scoped3A_77 : memref<!tpu.dma_semaphore, #tpu.memory_space<semaphore_mem>>)
      %dma_wait3A = arith.constant 0 : i32
      %dma_wait3A_87 = tpu.memref_slice %arg7[%run_scoped3A_43, %dma_wait3A] : memref<16x512xf32, #tpu.memory_space<vmem>> -> memref<1x512xf32, #tpu.memory_space<vmem>>
      %dma_wait3A_88 = tpu.memref_squeeze %dma_wait3A_87 : memref<1x512xf32, #tpu.memory_space<vmem>> -> memref<512xf32, #tpu.memory_space<vmem>>
      %dma_wait3A_89 = tpu.memref_slice %arg3[%select_n3A, %run_scoped3A_44, %mul3A_32] : memref<4x16x4096xf32, #tpu.memory_space<hbm>> -> memref<1x1x512xf32, #tpu.memory_space<hbm>>
      %dma_wait3A_90 = tpu.memref_squeeze %dma_wait3A_89 : memref<1x1x512xf32, #tpu.memory_space<hbm>> -> memref<512xf32, #tpu.memory_space<hbm>>
      %dma_wait3A_91 = tpu.memref_slice %arg3[%select_n3A, %run_scoped3A_44, %mul3A_32] : memref<4x16x4096xf32, #tpu.memory_space<hbm>> -> memref<1x1x512xf32, #tpu.memory_space<hbm>>
      %dma_wait3A_92 = tpu.memref_squeeze %dma_wait3A_91 : memref<1x1x512xf32, #tpu.memory_space<hbm>> -> memref<512xf32, #tpu.memory_space<hbm>>
      %dma_wait3A_93 = arith.constant 0 : i32
      %dma_wait3A_94 = tpu.memref_slice %arg7[%run_scoped3A_43, %dma_wait3A_93] : memref<16x512xf32, #tpu.memory_space<vmem>> -> memref<1x512xf32, #tpu.memory_space<vmem>>
      %dma_wait3A_95 = tpu.memref_squeeze %dma_wait3A_94 : memref<1x512xf32, #tpu.memory_space<vmem>> -> memref<512xf32, #tpu.memory_space<vmem>>
      tpu.wait_dma2 semaphore(%run_scoped3A_77 : memref<!tpu.dma_semaphore, #tpu.memory_space<semaphore_mem>>) src(%dma_wait3A_95 : memref<512xf32, #tpu.memory_space<vmem>>) dst(%dma_wait3A_92 : memref<512xf32, #tpu.memory_space<hbm>>)
      tpu.yield
    }) : () -> ()
    %run_scoped3A_45 = arith.constant 4 : i32
    %run_scoped3A_46 = arith.constant 4 : i32
    "tpu.region"() ({
      %run_scoped3A_77 = tpu.sem_alloc : memref<!tpu.dma_semaphore, #tpu.memory_space<semaphore_mem>>
      %dma_start3A = arith.constant 0 : i32
      %dma_start3A_78 = tpu.memref_slice %arg7[%run_scoped3A_45, %dma_start3A] : memref<16x512xf32, #tpu.memory_space<vmem>> -> memref<1x512xf32, #tpu.memory_space<vmem>>
      %dma_start3A_79 = tpu.memref_squeeze %dma_start3A_78 : memref<1x512xf32, #tpu.memory_space<vmem>> -> memref<512xf32, #tpu.memory_space<vmem>>
      %dma_start3A_80 = tpu.memref_slice %arg3[%select_n3A, %run_scoped3A_46, %mul3A_32] : memref<4x16x4096xf32, #tpu.memory_space<hbm>> -> memref<1x1x512xf32, #tpu.memory_space<hbm>>
      %dma_start3A_81 = tpu.memref_squeeze %dma_start3A_80 : memref<1x1x512xf32, #tpu.memory_space<hbm>> -> memref<512xf32, #tpu.memory_space<hbm>>
      %dma_start3A_82 = tpu.memref_slice %arg3[%select_n3A, %run_scoped3A_46, %mul3A_32] : memref<4x16x4096xf32, #tpu.memory_space<hbm>> -> memref<1x1x512xf32, #tpu.memory_space<hbm>>
      %dma_start3A_83 = tpu.memref_squeeze %dma_start3A_82 : memref<1x1x512xf32, #tpu.memory_space<hbm>> -> memref<512xf32, #tpu.memory_space<hbm>>
      %dma_start3A_84 = arith.constant 0 : i32
      %dma_start3A_85 = tpu.memref_slice %arg7[%run_scoped3A_45, %dma_start3A_84] : memref<16x512xf32, #tpu.memory_space<vmem>> -> memref<1x512xf32, #tpu.memory_space<vmem>>
      %dma_start3A_86 = tpu.memref_squeeze %dma_start3A_85 : memref<1x512xf32, #tpu.memory_space<vmem>> -> memref<512xf32, #tpu.memory_space<vmem>>
      tpu.enqueue_dma source(%dma_start3A_86 : memref<512xf32, #tpu.memory_space<vmem>>) target(%dma_start3A_83 : memref<512xf32, #tpu.memory_space<hbm>>) target_semaphore(%run_scoped3A_77 : memref<!tpu.dma_semaphore, #tpu.memory_space<semaphore_mem>>)
      %dma_wait3A = arith.constant 0 : i32
      %dma_wait3A_87 = tpu.memref_slice %arg7[%run_scoped3A_45, %dma_wait3A] : memref<16x512xf32, #tpu.memory_space<vmem>> -> memref<1x512xf32, #tpu.memory_space<vmem>>
      %dma_wait3A_88 = tpu.memref_squeeze %dma_wait3A_87 : memref<1x512xf32, #tpu.memory_space<vmem>> -> memref<512xf32, #tpu.memory_space<vmem>>
      %dma_wait3A_89 = tpu.memref_slice %arg3[%select_n3A, %run_scoped3A_46, %mul3A_32] : memref<4x16x4096xf32, #tpu.memory_space<hbm>> -> memref<1x1x512xf32, #tpu.memory_space<hbm>>
      %dma_wait3A_90 = tpu.memref_squeeze %dma_wait3A_89 : memref<1x1x512xf32, #tpu.memory_space<hbm>> -> memref<512xf32, #tpu.memory_space<hbm>>
      %dma_wait3A_91 = tpu.memref_slice %arg3[%select_n3A, %run_scoped3A_46, %mul3A_32] : memref<4x16x4096xf32, #tpu.memory_space<hbm>> -> memref<1x1x512xf32, #tpu.memory_space<hbm>>
      %dma_wait3A_92 = tpu.memref_squeeze %dma_wait3A_91 : memref<1x1x512xf32, #tpu.memory_space<hbm>> -> memref<512xf32, #tpu.memory_space<hbm>>
      %dma_wait3A_93 = arith.constant 0 : i32
      %dma_wait3A_94 = tpu.memref_slice %arg7[%run_scoped3A_45, %dma_wait3A_93] : memref<16x512xf32, #tpu.memory_space<vmem>> -> memref<1x512xf32, #tpu.memory_space<vmem>>
      %dma_wait3A_95 = tpu.memref_squeeze %dma_wait3A_94 : memref<1x512xf32, #tpu.memory_space<vmem>> -> memref<512xf32, #tpu.memory_space<vmem>>
      tpu.wait_dma2 semaphore(%run_scoped3A_77 : memref<!tpu.dma_semaphore, #tpu.memory_space<semaphore_mem>>) src(%dma_wait3A_95 : memref<512xf32, #tpu.memory_space<vmem>>) dst(%dma_wait3A_92 : memref<512xf32, #tpu.memory_space<hbm>>)
      tpu.yield
    }) : () -> ()
    %run_scoped3A_47 = arith.constant 5 : i32
    %run_scoped3A_48 = arith.constant 5 : i32
    "tpu.region"() ({
      %run_scoped3A_77 = tpu.sem_alloc : memref<!tpu.dma_semaphore, #tpu.memory_space<semaphore_mem>>
      %dma_start3A = arith.constant 0 : i32
      %dma_start3A_78 = tpu.memref_slice %arg7[%run_scoped3A_47, %dma_start3A] : memref<16x512xf32, #tpu.memory_space<vmem>> -> memref<1x512xf32, #tpu.memory_space<vmem>>
      %dma_start3A_79 = tpu.memref_squeeze %dma_start3A_78 : memref<1x512xf32, #tpu.memory_space<vmem>> -> memref<512xf32, #tpu.memory_space<vmem>>
      %dma_start3A_80 = tpu.memref_slice %arg3[%select_n3A, %run_scoped3A_48, %mul3A_32] : memref<4x16x4096xf32, #tpu.memory_space<hbm>> -> memref<1x1x512xf32, #tpu.memory_space<hbm>>
      %dma_start3A_81 = tpu.memref_squeeze %dma_start3A_80 : memref<1x1x512xf32, #tpu.memory_space<hbm>> -> memref<512xf32, #tpu.memory_space<hbm>>
      %dma_start3A_82 = tpu.memref_slice %arg3[%select_n3A, %run_scoped3A_48, %mul3A_32] : memref<4x16x4096xf32, #tpu.memory_space<hbm>> -> memref<1x1x512xf32, #tpu.memory_space<hbm>>
      %dma_start3A_83 = tpu.memref_squeeze %dma_start3A_82 : memref<1x1x512xf32, #tpu.memory_space<hbm>> -> memref<512xf32, #tpu.memory_space<hbm>>
      %dma_start3A_84 = arith.constant 0 : i32
      %dma_start3A_85 = tpu.memref_slice %arg7[%run_scoped3A_47, %dma_start3A_84] : memref<16x512xf32, #tpu.memory_space<vmem>> -> memref<1x512xf32, #tpu.memory_space<vmem>>
      %dma_start3A_86 = tpu.memref_squeeze %dma_start3A_85 : memref<1x512xf32, #tpu.memory_space<vmem>> -> memref<512xf32, #tpu.memory_space<vmem>>
      tpu.enqueue_dma source(%dma_start3A_86 : memref<512xf32, #tpu.memory_space<vmem>>) target(%dma_start3A_83 : memref<512xf32, #tpu.memory_space<hbm>>) target_semaphore(%run_scoped3A_77 : memref<!tpu.dma_semaphore, #tpu.memory_space<semaphore_mem>>)
      %dma_wait3A = arith.constant 0 : i32
      %dma_wait3A_87 = tpu.memref_slice %arg7[%run_scoped3A_47, %dma_wait3A] : memref<16x512xf32, #tpu.memory_space<vmem>> -> memref<1x512xf32, #tpu.memory_space<vmem>>
      %dma_wait3A_88 = tpu.memref_squeeze %dma_wait3A_87 : memref<1x512xf32, #tpu.memory_space<vmem>> -> memref<512xf32, #tpu.memory_space<vmem>>
      %dma_wait3A_89 = tpu.memref_slice %arg3[%select_n3A, %run_scoped3A_48, %mul3A_32] : memref<4x16x4096xf32, #tpu.memory_space<hbm>> -> memref<1x1x512xf32, #tpu.memory_space<hbm>>
      %dma_wait3A_90 = tpu.memref_squeeze %dma_wait3A_89 : memref<1x1x512xf32, #tpu.memory_space<hbm>> -> memref<512xf32, #tpu.memory_space<hbm>>
      %dma_wait3A_91 = tpu.memref_slice %arg3[%select_n3A, %run_scoped3A_48, %mul3A_32] : memref<4x16x4096xf32, #tpu.memory_space<hbm>> -> memref<1x1x512xf32, #tpu.memory_space<hbm>>
      %dma_wait3A_92 = tpu.memref_squeeze %dma_wait3A_91 : memref<1x1x512xf32, #tpu.memory_space<hbm>> -> memref<512xf32, #tpu.memory_space<hbm>>
      %dma_wait3A_93 = arith.constant 0 : i32
      %dma_wait3A_94 = tpu.memref_slice %arg7[%run_scoped3A_47, %dma_wait3A_93] : memref<16x512xf32, #tpu.memory_space<vmem>> -> memref<1x512xf32, #tpu.memory_space<vmem>>
      %dma_wait3A_95 = tpu.memref_squeeze %dma_wait3A_94 : memref<1x512xf32, #tpu.memory_space<vmem>> -> memref<512xf32, #tpu.memory_space<vmem>>
      tpu.wait_dma2 semaphore(%run_scoped3A_77 : memref<!tpu.dma_semaphore, #tpu.memory_space<semaphore_mem>>) src(%dma_wait3A_95 : memref<512xf32, #tpu.memory_space<vmem>>) dst(%dma_wait3A_92 : memref<512xf32, #tpu.memory_space<hbm>>)
      tpu.yield
    }) : () -> ()
    %run_scoped3A_49 = arith.constant 6 : i32
    %run_scoped3A_50 = arith.constant 6 : i32
    "tpu.region"() ({
      %run_scoped3A_77 = tpu.sem_alloc : memref<!tpu.dma_semaphore, #tpu.memory_space<semaphore_mem>>
      %dma_start3A = arith.constant 0 : i32
      %dma_start3A_78 = tpu.memref_slice %arg7[%run_scoped3A_49, %dma_start3A] : memref<16x512xf32, #tpu.memory_space<vmem>> -> memref<1x512xf32, #tpu.memory_space<vmem>>
      %dma_start3A_79 = tpu.memref_squeeze %dma_start3A_78 : memref<1x512xf32, #tpu.memory_space<vmem>> -> memref<512xf32, #tpu.memory_space<vmem>>
      %dma_start3A_80 = tpu.memref_slice %arg3[%select_n3A, %run_scoped3A_50, %mul3A_32] : memref<4x16x4096xf32, #tpu.memory_space<hbm>> -> memref<1x1x512xf32, #tpu.memory_space<hbm>>
      %dma_start3A_81 = tpu.memref_squeeze %dma_start3A_80 : memref<1x1x512xf32, #tpu.memory_space<hbm>> -> memref<512xf32, #tpu.memory_space<hbm>>
      %dma_start3A_82 = tpu.memref_slice %arg3[%select_n3A, %run_scoped3A_50, %mul3A_32] : memref<4x16x4096xf32, #tpu.memory_space<hbm>> -> memref<1x1x512xf32, #tpu.memory_space<hbm>>
      %dma_start3A_83 = tpu.memref_squeeze %dma_start3A_82 : memref<1x1x512xf32, #tpu.memory_space<hbm>> -> memref<512xf32, #tpu.memory_space<hbm>>
      %dma_start3A_84 = arith.constant 0 : i32
      %dma_start3A_85 = tpu.memref_slice %arg7[%run_scoped3A_49, %dma_start3A_84] : memref<16x512xf32, #tpu.memory_space<vmem>> -> memref<1x512xf32, #tpu.memory_space<vmem>>
      %dma_start3A_86 = tpu.memref_squeeze %dma_start3A_85 : memref<1x512xf32, #tpu.memory_space<vmem>> -> memref<512xf32, #tpu.memory_space<vmem>>
      tpu.enqueue_dma source(%dma_start3A_86 : memref<512xf32, #tpu.memory_space<vmem>>) target(%dma_start3A_83 : memref<512xf32, #tpu.memory_space<hbm>>) target_semaphore(%run_scoped3A_77 : memref<!tpu.dma_semaphore, #tpu.memory_space<semaphore_mem>>)
      %dma_wait3A = arith.constant 0 : i32
      %dma_wait3A_87 = tpu.memref_slice %arg7[%run_scoped3A_49, %dma_wait3A] : memref<16x512xf32, #tpu.memory_space<vmem>> -> memref<1x512xf32, #tpu.memory_space<vmem>>
      %dma_wait3A_88 = tpu.memref_squeeze %dma_wait3A_87 : memref<1x512xf32, #tpu.memory_space<vmem>> -> memref<512xf32, #tpu.memory_space<vmem>>
      %dma_wait3A_89 = tpu.memref_slice %arg3[%select_n3A, %run_scoped3A_50, %mul3A_32] : memref<4x16x4096xf32, #tpu.memory_space<hbm>> -> memref<1x1x512xf32, #tpu.memory_space<hbm>>
      %dma_wait3A_90 = tpu.memref_squeeze %dma_wait3A_89 : memref<1x1x512xf32, #tpu.memory_space<hbm>> -> memref<512xf32, #tpu.memory_space<hbm>>
      %dma_wait3A_91 = tpu.memref_slice %arg3[%select_n3A, %run_scoped3A_50, %mul3A_32] : memref<4x16x4096xf32, #tpu.memory_space<hbm>> -> memref<1x1x512xf32, #tpu.memory_space<hbm>>
      %dma_wait3A_92 = tpu.memref_squeeze %dma_wait3A_91 : memref<1x1x512xf32, #tpu.memory_space<hbm>> -> memref<512xf32, #tpu.memory_space<hbm>>
      %dma_wait3A_93 = arith.constant 0 : i32
      %dma_wait3A_94 = tpu.memref_slice %arg7[%run_scoped3A_49, %dma_wait3A_93] : memref<16x512xf32, #tpu.memory_space<vmem>> -> memref<1x512xf32, #tpu.memory_space<vmem>>
      %dma_wait3A_95 = tpu.memref_squeeze %dma_wait3A_94 : memref<1x512xf32, #tpu.memory_space<vmem>> -> memref<512xf32, #tpu.memory_space<vmem>>
      tpu.wait_dma2 semaphore(%run_scoped3A_77 : memref<!tpu.dma_semaphore, #tpu.memory_space<semaphore_mem>>) src(%dma_wait3A_95 : memref<512xf32, #tpu.memory_space<vmem>>) dst(%dma_wait3A_92 : memref<512xf32, #tpu.memory_space<hbm>>)
      tpu.yield
    }) : () -> ()
    %run_scoped3A_51 = arith.constant 7 : i32
    %run_scoped3A_52 = arith.constant 7 : i32
    "tpu.region"() ({
      %run_scoped3A_77 = tpu.sem_alloc : memref<!tpu.dma_semaphore, #tpu.memory_space<semaphore_mem>>
      %dma_start3A = arith.constant 0 : i32
      %dma_start3A_78 = tpu.memref_slice %arg7[%run_scoped3A_51, %dma_start3A] : memref<16x512xf32, #tpu.memory_space<vmem>> -> memref<1x512xf32, #tpu.memory_space<vmem>>
      %dma_start3A_79 = tpu.memref_squeeze %dma_start3A_78 : memref<1x512xf32, #tpu.memory_space<vmem>> -> memref<512xf32, #tpu.memory_space<vmem>>
      %dma_start3A_80 = tpu.memref_slice %arg3[%select_n3A, %run_scoped3A_52, %mul3A_32] : memref<4x16x4096xf32, #tpu.memory_space<hbm>> -> memref<1x1x512xf32, #tpu.memory_space<hbm>>
      %dma_start3A_81 = tpu.memref_squeeze %dma_start3A_80 : memref<1x1x512xf32, #tpu.memory_space<hbm>> -> memref<512xf32, #tpu.memory_space<hbm>>
      %dma_start3A_82 = tpu.memref_slice %arg3[%select_n3A, %run_scoped3A_52, %mul3A_32] : memref<4x16x4096xf32, #tpu.memory_space<hbm>> -> memref<1x1x512xf32, #tpu.memory_space<hbm>>
      %dma_start3A_83 = tpu.memref_squeeze %dma_start3A_82 : memref<1x1x512xf32, #tpu.memory_space<hbm>> -> memref<512xf32, #tpu.memory_space<hbm>>
      %dma_start3A_84 = arith.constant 0 : i32
      %dma_start3A_85 = tpu.memref_slice %arg7[%run_scoped3A_51, %dma_start3A_84] : memref<16x512xf32, #tpu.memory_space<vmem>> -> memref<1x512xf32, #tpu.memory_space<vmem>>
      %dma_start3A_86 = tpu.memref_squeeze %dma_start3A_85 : memref<1x512xf32, #tpu.memory_space<vmem>> -> memref<512xf32, #tpu.memory_space<vmem>>
      tpu.enqueue_dma source(%dma_start3A_86 : memref<512xf32, #tpu.memory_space<vmem>>) target(%dma_start3A_83 : memref<512xf32, #tpu.memory_space<hbm>>) target_semaphore(%run_scoped3A_77 : memref<!tpu.dma_semaphore, #tpu.memory_space<semaphore_mem>>)
      %dma_wait3A = arith.constant 0 : i32
      %dma_wait3A_87 = tpu.memref_slice %arg7[%run_scoped3A_51, %dma_wait3A] : memref<16x512xf32, #tpu.memory_space<vmem>> -> memref<1x512xf32, #tpu.memory_space<vmem>>
      %dma_wait3A_88 = tpu.memref_squeeze %dma_wait3A_87 : memref<1x512xf32, #tpu.memory_space<vmem>> -> memref<512xf32, #tpu.memory_space<vmem>>
      %dma_wait3A_89 = tpu.memref_slice %arg3[%select_n3A, %run_scoped3A_52, %mul3A_32] : memref<4x16x4096xf32, #tpu.memory_space<hbm>> -> memref<1x1x512xf32, #tpu.memory_space<hbm>>
      %dma_wait3A_90 = tpu.memref_squeeze %dma_wait3A_89 : memref<1x1x512xf32, #tpu.memory_space<hbm>> -> memref<512xf32, #tpu.memory_space<hbm>>
      %dma_wait3A_91 = tpu.memref_slice %arg3[%select_n3A, %run_scoped3A_52, %mul3A_32] : memref<4x16x4096xf32, #tpu.memory_space<hbm>> -> memref<1x1x512xf32, #tpu.memory_space<hbm>>
      %dma_wait3A_92 = tpu.memref_squeeze %dma_wait3A_91 : memref<1x1x512xf32, #tpu.memory_space<hbm>> -> memref<512xf32, #tpu.memory_space<hbm>>
      %dma_wait3A_93 = arith.constant 0 : i32
      %dma_wait3A_94 = tpu.memref_slice %arg7[%run_scoped3A_51, %dma_wait3A_93] : memref<16x512xf32, #tpu.memory_space<vmem>> -> memref<1x512xf32, #tpu.memory_space<vmem>>
      %dma_wait3A_95 = tpu.memref_squeeze %dma_wait3A_94 : memref<1x512xf32, #tpu.memory_space<vmem>> -> memref<512xf32, #tpu.memory_space<vmem>>
      tpu.wait_dma2 semaphore(%run_scoped3A_77 : memref<!tpu.dma_semaphore, #tpu.memory_space<semaphore_mem>>) src(%dma_wait3A_95 : memref<512xf32, #tpu.memory_space<vmem>>) dst(%dma_wait3A_92 : memref<512xf32, #tpu.memory_space<hbm>>)
      tpu.yield
    }) : () -> ()
    %run_scoped3A_53 = arith.constant 8 : i32
    %run_scoped3A_54 = arith.constant 8 : i32
    "tpu.region"() ({
      %run_scoped3A_77 = tpu.sem_alloc : memref<!tpu.dma_semaphore, #tpu.memory_space<semaphore_mem>>
      %dma_start3A = arith.constant 0 : i32
      %dma_start3A_78 = tpu.memref_slice %arg7[%run_scoped3A_53, %dma_start3A] : memref<16x512xf32, #tpu.memory_space<vmem>> -> memref<1x512xf32, #tpu.memory_space<vmem>>
      %dma_start3A_79 = tpu.memref_squeeze %dma_start3A_78 : memref<1x512xf32, #tpu.memory_space<vmem>> -> memref<512xf32, #tpu.memory_space<vmem>>
      %dma_start3A_80 = tpu.memref_slice %arg3[%select_n3A, %run_scoped3A_54, %mul3A_32] : memref<4x16x4096xf32, #tpu.memory_space<hbm>> -> memref<1x1x512xf32, #tpu.memory_space<hbm>>
      %dma_start3A_81 = tpu.memref_squeeze %dma_start3A_80 : memref<1x1x512xf32, #tpu.memory_space<hbm>> -> memref<512xf32, #tpu.memory_space<hbm>>
      %dma_start3A_82 = tpu.memref_slice %arg3[%select_n3A, %run_scoped3A_54, %mul3A_32] : memref<4x16x4096xf32, #tpu.memory_space<hbm>> -> memref<1x1x512xf32, #tpu.memory_space<hbm>>
      %dma_start3A_83 = tpu.memref_squeeze %dma_start3A_82 : memref<1x1x512xf32, #tpu.memory_space<hbm>> -> memref<512xf32, #tpu.memory_space<hbm>>
      %dma_start3A_84 = arith.constant 0 : i32
      %dma_start3A_85 = tpu.memref_slice %arg7[%run_scoped3A_53, %dma_start3A_84] : memref<16x512xf32, #tpu.memory_space<vmem>> -> memref<1x512xf32, #tpu.memory_space<vmem>>
      %dma_start3A_86 = tpu.memref_squeeze %dma_start3A_85 : memref<1x512xf32, #tpu.memory_space<vmem>> -> memref<512xf32, #tpu.memory_space<vmem>>
      tpu.enqueue_dma source(%dma_start3A_86 : memref<512xf32, #tpu.memory_space<vmem>>) target(%dma_start3A_83 : memref<512xf32, #tpu.memory_space<hbm>>) target_semaphore(%run_scoped3A_77 : memref<!tpu.dma_semaphore, #tpu.memory_space<semaphore_mem>>)
      %dma_wait3A = arith.constant 0 : i32
      %dma_wait3A_87 = tpu.memref_slice %arg7[%run_scoped3A_53, %dma_wait3A] : memref<16x512xf32, #tpu.memory_space<vmem>> -> memref<1x512xf32, #tpu.memory_space<vmem>>
      %dma_wait3A_88 = tpu.memref_squeeze %dma_wait3A_87 : memref<1x512xf32, #tpu.memory_space<vmem>> -> memref<512xf32, #tpu.memory_space<vmem>>
      %dma_wait3A_89 = tpu.memref_slice %arg3[%select_n3A, %run_scoped3A_54, %mul3A_32] : memref<4x16x4096xf32, #tpu.memory_space<hbm>> -> memref<1x1x512xf32, #tpu.memory_space<hbm>>
      %dma_wait3A_90 = tpu.memref_squeeze %dma_wait3A_89 : memref<1x1x512xf32, #tpu.memory_space<hbm>> -> memref<512xf32, #tpu.memory_space<hbm>>
      %dma_wait3A_91 = tpu.memref_slice %arg3[%select_n3A, %run_scoped3A_54, %mul3A_32] : memref<4x16x4096xf32, #tpu.memory_space<hbm>> -> memref<1x1x512xf32, #tpu.memory_space<hbm>>
      %dma_wait3A_92 = tpu.memref_squeeze %dma_wait3A_91 : memref<1x1x512xf32, #tpu.memory_space<hbm>> -> memref<512xf32, #tpu.memory_space<hbm>>
      %dma_wait3A_93 = arith.constant 0 : i32
      %dma_wait3A_94 = tpu.memref_slice %arg7[%run_scoped3A_53, %dma_wait3A_93] : memref<16x512xf32, #tpu.memory_space<vmem>> -> memref<1x512xf32, #tpu.memory_space<vmem>>
      %dma_wait3A_95 = tpu.memref_squeeze %dma_wait3A_94 : memref<1x512xf32, #tpu.memory_space<vmem>> -> memref<512xf32, #tpu.memory_space<vmem>>
      tpu.wait_dma2 semaphore(%run_scoped3A_77 : memref<!tpu.dma_semaphore, #tpu.memory_space<semaphore_mem>>) src(%dma_wait3A_95 : memref<512xf32, #tpu.memory_space<vmem>>) dst(%dma_wait3A_92 : memref<512xf32, #tpu.memory_space<hbm>>)
      tpu.yield
    }) : () -> ()
    %run_scoped3A_55 = arith.constant 9 : i32
    %run_scoped3A_56 = arith.constant 9 : i32
    "tpu.region"() ({
      %run_scoped3A_77 = tpu.sem_alloc : memref<!tpu.dma_semaphore, #tpu.memory_space<semaphore_mem>>
      %dma_start3A = arith.constant 0 : i32
      %dma_start3A_78 = tpu.memref_slice %arg7[%run_scoped3A_55, %dma_start3A] : memref<16x512xf32, #tpu.memory_space<vmem>> -> memref<1x512xf32, #tpu.memory_space<vmem>>
      %dma_start3A_79 = tpu.memref_squeeze %dma_start3A_78 : memref<1x512xf32, #tpu.memory_space<vmem>> -> memref<512xf32, #tpu.memory_space<vmem>>
      %dma_start3A_80 = tpu.memref_slice %arg3[%select_n3A, %run_scoped3A_56, %mul3A_32] : memref<4x16x4096xf32, #tpu.memory_space<hbm>> -> memref<1x1x512xf32, #tpu.memory_space<hbm>>
      %dma_start3A_81 = tpu.memref_squeeze %dma_start3A_80 : memref<1x1x512xf32, #tpu.memory_space<hbm>> -> memref<512xf32, #tpu.memory_space<hbm>>
      %dma_start3A_82 = tpu.memref_slice %arg3[%select_n3A, %run_scoped3A_56, %mul3A_32] : memref<4x16x4096xf32, #tpu.memory_space<hbm>> -> memref<1x1x512xf32, #tpu.memory_space<hbm>>
      %dma_start3A_83 = tpu.memref_squeeze %dma_start3A_82 : memref<1x1x512xf32, #tpu.memory_space<hbm>> -> memref<512xf32, #tpu.memory_space<hbm>>
      %dma_start3A_84 = arith.constant 0 : i32
      %dma_start3A_85 = tpu.memref_slice %arg7[%run_scoped3A_55, %dma_start3A_84] : memref<16x512xf32, #tpu.memory_space<vmem>> -> memref<1x512xf32, #tpu.memory_space<vmem>>
      %dma_start3A_86 = tpu.memref_squeeze %dma_start3A_85 : memref<1x512xf32, #tpu.memory_space<vmem>> -> memref<512xf32, #tpu.memory_space<vmem>>
      tpu.enqueue_dma source(%dma_start3A_86 : memref<512xf32, #tpu.memory_space<vmem>>) target(%dma_start3A_83 : memref<512xf32, #tpu.memory_space<hbm>>) target_semaphore(%run_scoped3A_77 : memref<!tpu.dma_semaphore, #tpu.memory_space<semaphore_mem>>)
      %dma_wait3A = arith.constant 0 : i32
      %dma_wait3A_87 = tpu.memref_slice %arg7[%run_scoped3A_55, %dma_wait3A] : memref<16x512xf32, #tpu.memory_space<vmem>> -> memref<1x512xf32, #tpu.memory_space<vmem>>
      %dma_wait3A_88 = tpu.memref_squeeze %dma_wait3A_87 : memref<1x512xf32, #tpu.memory_space<vmem>> -> memref<512xf32, #tpu.memory_space<vmem>>
      %dma_wait3A_89 = tpu.memref_slice %arg3[%select_n3A, %run_scoped3A_56, %mul3A_32] : memref<4x16x4096xf32, #tpu.memory_space<hbm>> -> memref<1x1x512xf32, #tpu.memory_space<hbm>>
      %dma_wait3A_90 = tpu.memref_squeeze %dma_wait3A_89 : memref<1x1x512xf32, #tpu.memory_space<hbm>> -> memref<512xf32, #tpu.memory_space<hbm>>
      %dma_wait3A_91 = tpu.memref_slice %arg3[%select_n3A, %run_scoped3A_56, %mul3A_32] : memref<4x16x4096xf32, #tpu.memory_space<hbm>> -> memref<1x1x512xf32, #tpu.memory_space<hbm>>
      %dma_wait3A_92 = tpu.memref_squeeze %dma_wait3A_91 : memref<1x1x512xf32, #tpu.memory_space<hbm>> -> memref<512xf32, #tpu.memory_space<hbm>>
      %dma_wait3A_93 = arith.constant 0 : i32
      %dma_wait3A_94 = tpu.memref_slice %arg7[%run_scoped3A_55, %dma_wait3A_93] : memref<16x512xf32, #tpu.memory_space<vmem>> -> memref<1x512xf32, #tpu.memory_space<vmem>>
      %dma_wait3A_95 = tpu.memref_squeeze %dma_wait3A_94 : memref<1x512xf32, #tpu.memory_space<vmem>> -> memref<512xf32, #tpu.memory_space<vmem>>
      tpu.wait_dma2 semaphore(%run_scoped3A_77 : memref<!tpu.dma_semaphore, #tpu.memory_space<semaphore_mem>>) src(%dma_wait3A_95 : memref<512xf32, #tpu.memory_space<vmem>>) dst(%dma_wait3A_92 : memref<512xf32, #tpu.memory_space<hbm>>)
      tpu.yield
    }) : () -> ()
    %run_scoped3A_57 = arith.constant 10 : i32
    %run_scoped3A_58 = arith.constant 10 : i32
    "tpu.region"() ({
      %run_scoped3A_77 = tpu.sem_alloc : memref<!tpu.dma_semaphore, #tpu.memory_space<semaphore_mem>>
      %dma_start3A = arith.constant 0 : i32
      %dma_start3A_78 = tpu.memref_slice %arg7[%run_scoped3A_57, %dma_start3A] : memref<16x512xf32, #tpu.memory_space<vmem>> -> memref<1x512xf32, #tpu.memory_space<vmem>>
      %dma_start3A_79 = tpu.memref_squeeze %dma_start3A_78 : memref<1x512xf32, #tpu.memory_space<vmem>> -> memref<512xf32, #tpu.memory_space<vmem>>
      %dma_start3A_80 = tpu.memref_slice %arg3[%select_n3A, %run_scoped3A_58, %mul3A_32] : memref<4x16x4096xf32, #tpu.memory_space<hbm>> -> memref<1x1x512xf32, #tpu.memory_space<hbm>>
      %dma_start3A_81 = tpu.memref_squeeze %dma_start3A_80 : memref<1x1x512xf32, #tpu.memory_space<hbm>> -> memref<512xf32, #tpu.memory_space<hbm>>
      %dma_start3A_82 = tpu.memref_slice %arg3[%select_n3A, %run_scoped3A_58, %mul3A_32] : memref<4x16x4096xf32, #tpu.memory_space<hbm>> -> memref<1x1x512xf32, #tpu.memory_space<hbm>>
      %dma_start3A_83 = tpu.memref_squeeze %dma_start3A_82 : memref<1x1x512xf32, #tpu.memory_space<hbm>> -> memref<512xf32, #tpu.memory_space<hbm>>
      %dma_start3A_84 = arith.constant 0 : i32
      %dma_start3A_85 = tpu.memref_slice %arg7[%run_scoped3A_57, %dma_start3A_84] : memref<16x512xf32, #tpu.memory_space<vmem>> -> memref<1x512xf32, #tpu.memory_space<vmem>>
      %dma_start3A_86 = tpu.memref_squeeze %dma_start3A_85 : memref<1x512xf32, #tpu.memory_space<vmem>> -> memref<512xf32, #tpu.memory_space<vmem>>
      tpu.enqueue_dma source(%dma_start3A_86 : memref<512xf32, #tpu.memory_space<vmem>>) target(%dma_start3A_83 : memref<512xf32, #tpu.memory_space<hbm>>) target_semaphore(%run_scoped3A_77 : memref<!tpu.dma_semaphore, #tpu.memory_space<semaphore_mem>>)
      %dma_wait3A = arith.constant 0 : i32
      %dma_wait3A_87 = tpu.memref_slice %arg7[%run_scoped3A_57, %dma_wait3A] : memref<16x512xf32, #tpu.memory_space<vmem>> -> memref<1x512xf32, #tpu.memory_space<vmem>>
      %dma_wait3A_88 = tpu.memref_squeeze %dma_wait3A_87 : memref<1x512xf32, #tpu.memory_space<vmem>> -> memref<512xf32, #tpu.memory_space<vmem>>
      %dma_wait3A_89 = tpu.memref_slice %arg3[%select_n3A, %run_scoped3A_58, %mul3A_32] : memref<4x16x4096xf32, #tpu.memory_space<hbm>> -> memref<1x1x512xf32, #tpu.memory_space<hbm>>
      %dma_wait3A_90 = tpu.memref_squeeze %dma_wait3A_89 : memref<1x1x512xf32, #tpu.memory_space<hbm>> -> memref<512xf32, #tpu.memory_space<hbm>>
      %dma_wait3A_91 = tpu.memref_slice %arg3[%select_n3A, %run_scoped3A_58, %mul3A_32] : memref<4x16x4096xf32, #tpu.memory_space<hbm>> -> memref<1x1x512xf32, #tpu.memory_space<hbm>>
      %dma_wait3A_92 = tpu.memref_squeeze %dma_wait3A_91 : memref<1x1x512xf32, #tpu.memory_space<hbm>> -> memref<512xf32, #tpu.memory_space<hbm>>
      %dma_wait3A_93 = arith.constant 0 : i32
      %dma_wait3A_94 = tpu.memref_slice %arg7[%run_scoped3A_57, %dma_wait3A_93] : memref<16x512xf32, #tpu.memory_space<vmem>> -> memref<1x512xf32, #tpu.memory_space<vmem>>
      %dma_wait3A_95 = tpu.memref_squeeze %dma_wait3A_94 : memref<1x512xf32, #tpu.memory_space<vmem>> -> memref<512xf32, #tpu.memory_space<vmem>>
      tpu.wait_dma2 semaphore(%run_scoped3A_77 : memref<!tpu.dma_semaphore, #tpu.memory_space<semaphore_mem>>) src(%dma_wait3A_95 : memref<512xf32, #tpu.memory_space<vmem>>) dst(%dma_wait3A_92 : memref<512xf32, #tpu.memory_space<hbm>>)
      tpu.yield
    }) : () -> ()
    %run_scoped3A_59 = arith.constant 11 : i32
    %run_scoped3A_60 = arith.constant 11 : i32
    "tpu.region"() ({
      %run_scoped3A_77 = tpu.sem_alloc : memref<!tpu.dma_semaphore, #tpu.memory_space<semaphore_mem>>
      %dma_start3A = arith.constant 0 : i32
      %dma_start3A_78 = tpu.memref_slice %arg7[%run_scoped3A_59, %dma_start3A] : memref<16x512xf32, #tpu.memory_space<vmem>> -> memref<1x512xf32, #tpu.memory_space<vmem>>
      %dma_start3A_79 = tpu.memref_squeeze %dma_start3A_78 : memref<1x512xf32, #tpu.memory_space<vmem>> -> memref<512xf32, #tpu.memory_space<vmem>>
      %dma_start3A_80 = tpu.memref_slice %arg3[%select_n3A, %run_scoped3A_60, %mul3A_32] : memref<4x16x4096xf32, #tpu.memory_space<hbm>> -> memref<1x1x512xf32, #tpu.memory_space<hbm>>
      %dma_start3A_81 = tpu.memref_squeeze %dma_start3A_80 : memref<1x1x512xf32, #tpu.memory_space<hbm>> -> memref<512xf32, #tpu.memory_space<hbm>>
      %dma_start3A_82 = tpu.memref_slice %arg3[%select_n3A, %run_scoped3A_60, %mul3A_32] : memref<4x16x4096xf32, #tpu.memory_space<hbm>> -> memref<1x1x512xf32, #tpu.memory_space<hbm>>
      %dma_start3A_83 = tpu.memref_squeeze %dma_start3A_82 : memref<1x1x512xf32, #tpu.memory_space<hbm>> -> memref<512xf32, #tpu.memory_space<hbm>>
      %dma_start3A_84 = arith.constant 0 : i32
      %dma_start3A_85 = tpu.memref_slice %arg7[%run_scoped3A_59, %dma_start3A_84] : memref<16x512xf32, #tpu.memory_space<vmem>> -> memref<1x512xf32, #tpu.memory_space<vmem>>
      %dma_start3A_86 = tpu.memref_squeeze %dma_start3A_85 : memref<1x512xf32, #tpu.memory_space<vmem>> -> memref<512xf32, #tpu.memory_space<vmem>>
      tpu.enqueue_dma source(%dma_start3A_86 : memref<512xf32, #tpu.memory_space<vmem>>) target(%dma_start3A_83 : memref<512xf32, #tpu.memory_space<hbm>>) target_semaphore(%run_scoped3A_77 : memref<!tpu.dma_semaphore, #tpu.memory_space<semaphore_mem>>)
      %dma_wait3A = arith.constant 0 : i32
      %dma_wait3A_87 = tpu.memref_slice %arg7[%run_scoped3A_59, %dma_wait3A] : memref<16x512xf32, #tpu.memory_space<vmem>> -> memref<1x512xf32, #tpu.memory_space<vmem>>
      %dma_wait3A_88 = tpu.memref_squeeze %dma_wait3A_87 : memref<1x512xf32, #tpu.memory_space<vmem>> -> memref<512xf32, #tpu.memory_space<vmem>>
      %dma_wait3A_89 = tpu.memref_slice %arg3[%select_n3A, %run_scoped3A_60, %mul3A_32] : memref<4x16x4096xf32, #tpu.memory_space<hbm>> -> memref<1x1x512xf32, #tpu.memory_space<hbm>>
      %dma_wait3A_90 = tpu.memref_squeeze %dma_wait3A_89 : memref<1x1x512xf32, #tpu.memory_space<hbm>> -> memref<512xf32, #tpu.memory_space<hbm>>
      %dma_wait3A_91 = tpu.memref_slice %arg3[%select_n3A, %run_scoped3A_60, %mul3A_32] : memref<4x16x4096xf32, #tpu.memory_space<hbm>> -> memref<1x1x512xf32, #tpu.memory_space<hbm>>
      %dma_wait3A_92 = tpu.memref_squeeze %dma_wait3A_91 : memref<1x1x512xf32, #tpu.memory_space<hbm>> -> memref<512xf32, #tpu.memory_space<hbm>>
      %dma_wait3A_93 = arith.constant 0 : i32
      %dma_wait3A_94 = tpu.memref_slice %arg7[%run_scoped3A_59, %dma_wait3A_93] : memref<16x512xf32, #tpu.memory_space<vmem>> -> memref<1x512xf32, #tpu.memory_space<vmem>>
      %dma_wait3A_95 = tpu.memref_squeeze %dma_wait3A_94 : memref<1x512xf32, #tpu.memory_space<vmem>> -> memref<512xf32, #tpu.memory_space<vmem>>
      tpu.wait_dma2 semaphore(%run_scoped3A_77 : memref<!tpu.dma_semaphore, #tpu.memory_space<semaphore_mem>>) src(%dma_wait3A_95 : memref<512xf32, #tpu.memory_space<vmem>>) dst(%dma_wait3A_92 : memref<512xf32, #tpu.memory_space<hbm>>)
      tpu.yield
    }) : () -> ()
    %run_scoped3A_61 = arith.constant 12 : i32
    %run_scoped3A_62 = arith.constant 12 : i32
    "tpu.region"() ({
      %run_scoped3A_77 = tpu.sem_alloc : memref<!tpu.dma_semaphore, #tpu.memory_space<semaphore_mem>>
      %dma_start3A = arith.constant 0 : i32
      %dma_start3A_78 = tpu.memref_slice %arg7[%run_scoped3A_61, %dma_start3A] : memref<16x512xf32, #tpu.memory_space<vmem>> -> memref<1x512xf32, #tpu.memory_space<vmem>>
      %dma_start3A_79 = tpu.memref_squeeze %dma_start3A_78 : memref<1x512xf32, #tpu.memory_space<vmem>> -> memref<512xf32, #tpu.memory_space<vmem>>
      %dma_start3A_80 = tpu.memref_slice %arg3[%select_n3A, %run_scoped3A_62, %mul3A_32] : memref<4x16x4096xf32, #tpu.memory_space<hbm>> -> memref<1x1x512xf32, #tpu.memory_space<hbm>>
      %dma_start3A_81 = tpu.memref_squeeze %dma_start3A_80 : memref<1x1x512xf32, #tpu.memory_space<hbm>> -> memref<512xf32, #tpu.memory_space<hbm>>
      %dma_start3A_82 = tpu.memref_slice %arg3[%select_n3A, %run_scoped3A_62, %mul3A_32] : memref<4x16x4096xf32, #tpu.memory_space<hbm>> -> memref<1x1x512xf32, #tpu.memory_space<hbm>>
      %dma_start3A_83 = tpu.memref_squeeze %dma_start3A_82 : memref<1x1x512xf32, #tpu.memory_space<hbm>> -> memref<512xf32, #tpu.memory_space<hbm>>
      %dma_start3A_84 = arith.constant 0 : i32
      %dma_start3A_85 = tpu.memref_slice %arg7[%run_scoped3A_61, %dma_start3A_84] : memref<16x512xf32, #tpu.memory_space<vmem>> -> memref<1x512xf32, #tpu.memory_space<vmem>>
      %dma_start3A_86 = tpu.memref_squeeze %dma_start3A_85 : memref<1x512xf32, #tpu.memory_space<vmem>> -> memref<512xf32, #tpu.memory_space<vmem>>
      tpu.enqueue_dma source(%dma_start3A_86 : memref<512xf32, #tpu.memory_space<vmem>>) target(%dma_start3A_83 : memref<512xf32, #tpu.memory_space<hbm>>) target_semaphore(%run_scoped3A_77 : memref<!tpu.dma_semaphore, #tpu.memory_space<semaphore_mem>>)
      %dma_wait3A = arith.constant 0 : i32
      %dma_wait3A_87 = tpu.memref_slice %arg7[%run_scoped3A_61, %dma_wait3A] : memref<16x512xf32, #tpu.memory_space<vmem>> -> memref<1x512xf32, #tpu.memory_space<vmem>>
      %dma_wait3A_88 = tpu.memref_squeeze %dma_wait3A_87 : memref<1x512xf32, #tpu.memory_space<vmem>> -> memref<512xf32, #tpu.memory_space<vmem>>
      %dma_wait3A_89 = tpu.memref_slice %arg3[%select_n3A, %run_scoped3A_62, %mul3A_32] : memref<4x16x4096xf32, #tpu.memory_space<hbm>> -> memref<1x1x512xf32, #tpu.memory_space<hbm>>
      %dma_wait3A_90 = tpu.memref_squeeze %dma_wait3A_89 : memref<1x1x512xf32, #tpu.memory_space<hbm>> -> memref<512xf32, #tpu.memory_space<hbm>>
      %dma_wait3A_91 = tpu.memref_slice %arg3[%select_n3A, %run_scoped3A_62, %mul3A_32] : memref<4x16x4096xf32, #tpu.memory_space<hbm>> -> memref<1x1x512xf32, #tpu.memory_space<hbm>>
      %dma_wait3A_92 = tpu.memref_squeeze %dma_wait3A_91 : memref<1x1x512xf32, #tpu.memory_space<hbm>> -> memref<512xf32, #tpu.memory_space<hbm>>
      %dma_wait3A_93 = arith.constant 0 : i32
      %dma_wait3A_94 = tpu.memref_slice %arg7[%run_scoped3A_61, %dma_wait3A_93] : memref<16x512xf32, #tpu.memory_space<vmem>> -> memref<1x512xf32, #tpu.memory_space<vmem>>
      %dma_wait3A_95 = tpu.memref_squeeze %dma_wait3A_94 : memref<1x512xf32, #tpu.memory_space<vmem>> -> memref<512xf32, #tpu.memory_space<vmem>>
      tpu.wait_dma2 semaphore(%run_scoped3A_77 : memref<!tpu.dma_semaphore, #tpu.memory_space<semaphore_mem>>) src(%dma_wait3A_95 : memref<512xf32, #tpu.memory_space<vmem>>) dst(%dma_wait3A_92 : memref<512xf32, #tpu.memory_space<hbm>>)
      tpu.yield
    }) : () -> ()
    %run_scoped3A_63 = arith.constant 13 : i32
    %run_scoped3A_64 = arith.constant 13 : i32
    "tpu.region"() ({
      %run_scoped3A_77 = tpu.sem_alloc : memref<!tpu.dma_semaphore, #tpu.memory_space<semaphore_mem>>
      %dma_start3A = arith.constant 0 : i32
      %dma_start3A_78 = tpu.memref_slice %arg7[%run_scoped3A_63, %dma_start3A] : memref<16x512xf32, #tpu.memory_space<vmem>> -> memref<1x512xf32, #tpu.memory_space<vmem>>
      %dma_start3A_79 = tpu.memref_squeeze %dma_start3A_78 : memref<1x512xf32, #tpu.memory_space<vmem>> -> memref<512xf32, #tpu.memory_space<vmem>>
      %dma_start3A_80 = tpu.memref_slice %arg3[%select_n3A, %run_scoped3A_64, %mul3A_32] : memref<4x16x4096xf32, #tpu.memory_space<hbm>> -> memref<1x1x512xf32, #tpu.memory_space<hbm>>
      %dma_start3A_81 = tpu.memref_squeeze %dma_start3A_80 : memref<1x1x512xf32, #tpu.memory_space<hbm>> -> memref<512xf32, #tpu.memory_space<hbm>>
      %dma_start3A_82 = tpu.memref_slice %arg3[%select_n3A, %run_scoped3A_64, %mul3A_32] : memref<4x16x4096xf32, #tpu.memory_space<hbm>> -> memref<1x1x512xf32, #tpu.memory_space<hbm>>
      %dma_start3A_83 = tpu.memref_squeeze %dma_start3A_82 : memref<1x1x512xf32, #tpu.memory_space<hbm>> -> memref<512xf32, #tpu.memory_space<hbm>>
      %dma_start3A_84 = arith.constant 0 : i32
      %dma_start3A_85 = tpu.memref_slice %arg7[%run_scoped3A_63, %dma_start3A_84] : memref<16x512xf32, #tpu.memory_space<vmem>> -> memref<1x512xf32, #tpu.memory_space<vmem>>
      %dma_start3A_86 = tpu.memref_squeeze %dma_start3A_85 : memref<1x512xf32, #tpu.memory_space<vmem>> -> memref<512xf32, #tpu.memory_space<vmem>>
      tpu.enqueue_dma source(%dma_start3A_86 : memref<512xf32, #tpu.memory_space<vmem>>) target(%dma_start3A_83 : memref<512xf32, #tpu.memory_space<hbm>>) target_semaphore(%run_scoped3A_77 : memref<!tpu.dma_semaphore, #tpu.memory_space<semaphore_mem>>)
      %dma_wait3A = arith.constant 0 : i32
      %dma_wait3A_87 = tpu.memref_slice %arg7[%run_scoped3A_63, %dma_wait3A] : memref<16x512xf32, #tpu.memory_space<vmem>> -> memref<1x512xf32, #tpu.memory_space<vmem>>
      %dma_wait3A_88 = tpu.memref_squeeze %dma_wait3A_87 : memref<1x512xf32, #tpu.memory_space<vmem>> -> memref<512xf32, #tpu.memory_space<vmem>>
      %dma_wait3A_89 = tpu.memref_slice %arg3[%select_n3A, %run_scoped3A_64, %mul3A_32] : memref<4x16x4096xf32, #tpu.memory_space<hbm>> -> memref<1x1x512xf32, #tpu.memory_space<hbm>>
      %dma_wait3A_90 = tpu.memref_squeeze %dma_wait3A_89 : memref<1x1x512xf32, #tpu.memory_space<hbm>> -> memref<512xf32, #tpu.memory_space<hbm>>
      %dma_wait3A_91 = tpu.memref_slice %arg3[%select_n3A, %run_scoped3A_64, %mul3A_32] : memref<4x16x4096xf32, #tpu.memory_space<hbm>> -> memref<1x1x512xf32, #tpu.memory_space<hbm>>
      %dma_wait3A_92 = tpu.memref_squeeze %dma_wait3A_91 : memref<1x1x512xf32, #tpu.memory_space<hbm>> -> memref<512xf32, #tpu.memory_space<hbm>>
      %dma_wait3A_93 = arith.constant 0 : i32
      %dma_wait3A_94 = tpu.memref_slice %arg7[%run_scoped3A_63, %dma_wait3A_93] : memref<16x512xf32, #tpu.memory_space<vmem>> -> memref<1x512xf32, #tpu.memory_space<vmem>>
      %dma_wait3A_95 = tpu.memref_squeeze %dma_wait3A_94 : memref<1x512xf32, #tpu.memory_space<vmem>> -> memref<512xf32, #tpu.memory_space<vmem>>
      tpu.wait_dma2 semaphore(%run_scoped3A_77 : memref<!tpu.dma_semaphore, #tpu.memory_space<semaphore_mem>>) src(%dma_wait3A_95 : memref<512xf32, #tpu.memory_space<vmem>>) dst(%dma_wait3A_92 : memref<512xf32, #tpu.memory_space<hbm>>)
      tpu.yield
    }) : () -> ()
    %run_scoped3A_65 = arith.constant 14 : i32
    %run_scoped3A_66 = arith.constant 14 : i32
    "tpu.region"() ({
      %run_scoped3A_77 = tpu.sem_alloc : memref<!tpu.dma_semaphore, #tpu.memory_space<semaphore_mem>>
      %dma_start3A = arith.constant 0 : i32
      %dma_start3A_78 = tpu.memref_slice %arg7[%run_scoped3A_65, %dma_start3A] : memref<16x512xf32, #tpu.memory_space<vmem>> -> memref<1x512xf32, #tpu.memory_space<vmem>>
      %dma_start3A_79 = tpu.memref_squeeze %dma_start3A_78 : memref<1x512xf32, #tpu.memory_space<vmem>> -> memref<512xf32, #tpu.memory_space<vmem>>
      %dma_start3A_80 = tpu.memref_slice %arg3[%select_n3A, %run_scoped3A_66, %mul3A_32] : memref<4x16x4096xf32, #tpu.memory_space<hbm>> -> memref<1x1x512xf32, #tpu.memory_space<hbm>>
      %dma_start3A_81 = tpu.memref_squeeze %dma_start3A_80 : memref<1x1x512xf32, #tpu.memory_space<hbm>> -> memref<512xf32, #tpu.memory_space<hbm>>
      %dma_start3A_82 = tpu.memref_slice %arg3[%select_n3A, %run_scoped3A_66, %mul3A_32] : memref<4x16x4096xf32, #tpu.memory_space<hbm>> -> memref<1x1x512xf32, #tpu.memory_space<hbm>>
      %dma_start3A_83 = tpu.memref_squeeze %dma_start3A_82 : memref<1x1x512xf32, #tpu.memory_space<hbm>> -> memref<512xf32, #tpu.memory_space<hbm>>
      %dma_start3A_84 = arith.constant 0 : i32
      %dma_start3A_85 = tpu.memref_slice %arg7[%run_scoped3A_65, %dma_start3A_84] : memref<16x512xf32, #tpu.memory_space<vmem>> -> memref<1x512xf32, #tpu.memory_space<vmem>>
      %dma_start3A_86 = tpu.memref_squeeze %dma_start3A_85 : memref<1x512xf32, #tpu.memory_space<vmem>> -> memref<512xf32, #tpu.memory_space<vmem>>
      tpu.enqueue_dma source(%dma_start3A_86 : memref<512xf32, #tpu.memory_space<vmem>>) target(%dma_start3A_83 : memref<512xf32, #tpu.memory_space<hbm>>) target_semaphore(%run_scoped3A_77 : memref<!tpu.dma_semaphore, #tpu.memory_space<semaphore_mem>>)
      %dma_wait3A = arith.constant 0 : i32
      %dma_wait3A_87 = tpu.memref_slice %arg7[%run_scoped3A_65, %dma_wait3A] : memref<16x512xf32, #tpu.memory_space<vmem>> -> memref<1x512xf32, #tpu.memory_space<vmem>>
      %dma_wait3A_88 = tpu.memref_squeeze %dma_wait3A_87 : memref<1x512xf32, #tpu.memory_space<vmem>> -> memref<512xf32, #tpu.memory_space<vmem>>
      %dma_wait3A_89 = tpu.memref_slice %arg3[%select_n3A, %run_scoped3A_66, %mul3A_32] : memref<4x16x4096xf32, #tpu.memory_space<hbm>> -> memref<1x1x512xf32, #tpu.memory_space<hbm>>
      %dma_wait3A_90 = tpu.memref_squeeze %dma_wait3A_89 : memref<1x1x512xf32, #tpu.memory_space<hbm>> -> memref<512xf32, #tpu.memory_space<hbm>>
      %dma_wait3A_91 = tpu.memref_slice %arg3[%select_n3A, %run_scoped3A_66, %mul3A_32] : memref<4x16x4096xf32, #tpu.memory_space<hbm>> -> memref<1x1x512xf32, #tpu.memory_space<hbm>>
      %dma_wait3A_92 = tpu.memref_squeeze %dma_wait3A_91 : memref<1x1x512xf32, #tpu.memory_space<hbm>> -> memref<512xf32, #tpu.memory_space<hbm>>
      %dma_wait3A_93 = arith.constant 0 : i32
      %dma_wait3A_94 = tpu.memref_slice %arg7[%run_scoped3A_65, %dma_wait3A_93] : memref<16x512xf32, #tpu.memory_space<vmem>> -> memref<1x512xf32, #tpu.memory_space<vmem>>
      %dma_wait3A_95 = tpu.memref_squeeze %dma_wait3A_94 : memref<1x512xf32, #tpu.memory_space<vmem>> -> memref<512xf32, #tpu.memory_space<vmem>>
      tpu.wait_dma2 semaphore(%run_scoped3A_77 : memref<!tpu.dma_semaphore, #tpu.memory_space<semaphore_mem>>) src(%dma_wait3A_95 : memref<512xf32, #tpu.memory_space<vmem>>) dst(%dma_wait3A_92 : memref<512xf32, #tpu.memory_space<hbm>>)
      tpu.yield
    }) : () -> ()
    %run_scoped3A_67 = arith.constant 15 : i32
    %run_scoped3A_68 = arith.constant 15 : i32
    "tpu.region"() ({
      %run_scoped3A_77 = tpu.sem_alloc : memref<!tpu.dma_semaphore, #tpu.memory_space<semaphore_mem>>
      %dma_start3A = arith.constant 0 : i32
      %dma_start3A_78 = tpu.memref_slice %arg7[%run_scoped3A_67, %dma_start3A] : memref<16x512xf32, #tpu.memory_space<vmem>> -> memref<1x512xf32, #tpu.memory_space<vmem>>
      %dma_start3A_79 = tpu.memref_squeeze %dma_start3A_78 : memref<1x512xf32, #tpu.memory_space<vmem>> -> memref<512xf32, #tpu.memory_space<vmem>>
      %dma_start3A_80 = tpu.memref_slice %arg3[%select_n3A, %run_scoped3A_68, %mul3A_32] : memref<4x16x4096xf32, #tpu.memory_space<hbm>> -> memref<1x1x512xf32, #tpu.memory_space<hbm>>
      %dma_start3A_81 = tpu.memref_squeeze %dma_start3A_80 : memref<1x1x512xf32, #tpu.memory_space<hbm>> -> memref<512xf32, #tpu.memory_space<hbm>>
      %dma_start3A_82 = tpu.memref_slice %arg3[%select_n3A, %run_scoped3A_68, %mul3A_32] : memref<4x16x4096xf32, #tpu.memory_space<hbm>> -> memref<1x1x512xf32, #tpu.memory_space<hbm>>
      %dma_start3A_83 = tpu.memref_squeeze %dma_start3A_82 : memref<1x1x512xf32, #tpu.memory_space<hbm>> -> memref<512xf32, #tpu.memory_space<hbm>>
      %dma_start3A_84 = arith.constant 0 : i32
      %dma_start3A_85 = tpu.memref_slice %arg7[%run_scoped3A_67, %dma_start3A_84] : memref<16x512xf32, #tpu.memory_space<vmem>> -> memref<1x512xf32, #tpu.memory_space<vmem>>
      %dma_start3A_86 = tpu.memref_squeeze %dma_start3A_85 : memref<1x512xf32, #tpu.memory_space<vmem>> -> memref<512xf32, #tpu.memory_space<vmem>>
      tpu.enqueue_dma source(%dma_start3A_86 : memref<512xf32, #tpu.memory_space<vmem>>) target(%dma_start3A_83 : memref<512xf32, #tpu.memory_space<hbm>>) target_semaphore(%run_scoped3A_77 : memref<!tpu.dma_semaphore, #tpu.memory_space<semaphore_mem>>)
      %dma_wait3A = arith.constant 0 : i32
      %dma_wait3A_87 = tpu.memref_slice %arg7[%run_scoped3A_67, %dma_wait3A] : memref<16x512xf32, #tpu.memory_space<vmem>> -> memref<1x512xf32, #tpu.memory_space<vmem>>
      %dma_wait3A_88 = tpu.memref_squeeze %dma_wait3A_87 : memref<1x512xf32, #tpu.memory_space<vmem>> -> memref<512xf32, #tpu.memory_space<vmem>>
      %dma_wait3A_89 = tpu.memref_slice %arg3[%select_n3A, %run_scoped3A_68, %mul3A_32] : memref<4x16x4096xf32, #tpu.memory_space<hbm>> -> memref<1x1x512xf32, #tpu.memory_space<hbm>>
      %dma_wait3A_90 = tpu.memref_squeeze %dma_wait3A_89 : memref<1x1x512xf32, #tpu.memory_space<hbm>> -> memref<512xf32, #tpu.memory_space<hbm>>
      %dma_wait3A_91 = tpu.memref_slice %arg3[%select_n3A, %run_scoped3A_68, %mul3A_32] : memref<4x16x4096xf32, #tpu.memory_space<hbm>> -> memref<1x1x512xf32, #tpu.memory_space<hbm>>
      %dma_wait3A_92 = tpu.memref_squeeze %dma_wait3A_91 : memref<1x1x512xf32, #tpu.memory_space<hbm>> -> memref<512xf32, #tpu.memory_space<hbm>>
      %dma_wait3A_93 = arith.constant 0 : i32
      %dma_wait3A_94 = tpu.memref_slice %arg7[%run_scoped3A_67, %dma_wait3A_93] : memref<16x512xf32, #tpu.memory_space<vmem>> -> memref<1x512xf32, #tpu.memory_space<vmem>>
      %dma_wait3A_95 = tpu.memref_squeeze %dma_wait3A_94 : memref<1x512xf32, #tpu.memory_space<vmem>> -> memref<512xf32, #tpu.memory_space<vmem>>
      tpu.wait_dma2 semaphore(%run_scoped3A_77 : memref<!tpu.dma_semaphore, #tpu.memory_space<semaphore_mem>>) src(%dma_wait3A_95 : memref<512xf32, #tpu.memory_space<vmem>>) dst(%dma_wait3A_92 : memref<512xf32, #tpu.memory_space<hbm>>)
      tpu.yield
    }) : () -> ()
    %run_scoped3A_69 = arith.constant 0 : i32
    %run_scoped3A_70 = arith.constant 0 : i32
    "tpu.region"() ({
      %run_scoped3A_77 = tpu.sem_alloc : memref<!tpu.dma_semaphore, #tpu.memory_space<semaphore_mem>>
      %dma_start3A = arith.constant 0 : i32
      %dma_start3A_78 = tpu.memref_slice %arg8[%run_scoped3A_69, %dma_start3A] : memref<2x512xi32, #tpu.memory_space<vmem>> -> memref<1x512xi32, #tpu.memory_space<vmem>>
      %dma_start3A_79 = tpu.memref_squeeze %dma_start3A_78 : memref<1x512xi32, #tpu.memory_space<vmem>> -> memref<512xi32, #tpu.memory_space<vmem>>
      %dma_start3A_80 = tpu.memref_slice %arg4[%select_n3A, %run_scoped3A_70, %mul3A_32] : memref<4x2x4096xi32, #tpu.memory_space<hbm>> -> memref<1x1x512xi32, #tpu.memory_space<hbm>>
      %dma_start3A_81 = tpu.memref_squeeze %dma_start3A_80 : memref<1x1x512xi32, #tpu.memory_space<hbm>> -> memref<512xi32, #tpu.memory_space<hbm>>
      %dma_start3A_82 = tpu.memref_slice %arg4[%select_n3A, %run_scoped3A_70, %mul3A_32] : memref<4x2x4096xi32, #tpu.memory_space<hbm>> -> memref<1x1x512xi32, #tpu.memory_space<hbm>>
      %dma_start3A_83 = tpu.memref_squeeze %dma_start3A_82 : memref<1x1x512xi32, #tpu.memory_space<hbm>> -> memref<512xi32, #tpu.memory_space<hbm>>
      %dma_start3A_84 = arith.constant 0 : i32
      %dma_start3A_85 = tpu.memref_slice %arg8[%run_scoped3A_69, %dma_start3A_84] : memref<2x512xi32, #tpu.memory_space<vmem>> -> memref<1x512xi32, #tpu.memory_space<vmem>>
      %dma_start3A_86 = tpu.memref_squeeze %dma_start3A_85 : memref<1x512xi32, #tpu.memory_space<vmem>> -> memref<512xi32, #tpu.memory_space<vmem>>
      tpu.enqueue_dma source(%dma_start3A_86 : memref<512xi32, #tpu.memory_space<vmem>>) target(%dma_start3A_83 : memref<512xi32, #tpu.memory_space<hbm>>) target_semaphore(%run_scoped3A_77 : memref<!tpu.dma_semaphore, #tpu.memory_space<semaphore_mem>>)
      %dma_wait3A = arith.constant 0 : i32
      %dma_wait3A_87 = tpu.memref_slice %arg8[%run_scoped3A_69, %dma_wait3A] : memref<2x512xi32, #tpu.memory_space<vmem>> -> memref<1x512xi32, #tpu.memory_space<vmem>>
      %dma_wait3A_88 = tpu.memref_squeeze %dma_wait3A_87 : memref<1x512xi32, #tpu.memory_space<vmem>> -> memref<512xi32, #tpu.memory_space<vmem>>
      %dma_wait3A_89 = tpu.memref_slice %arg4[%select_n3A, %run_scoped3A_70, %mul3A_32] : memref<4x2x4096xi32, #tpu.memory_space<hbm>> -> memref<1x1x512xi32, #tpu.memory_space<hbm>>
      %dma_wait3A_90 = tpu.memref_squeeze %dma_wait3A_89 : memref<1x1x512xi32, #tpu.memory_space<hbm>> -> memref<512xi32, #tpu.memory_space<hbm>>
      %dma_wait3A_91 = tpu.memref_slice %arg4[%select_n3A, %run_scoped3A_70, %mul3A_32] : memref<4x2x4096xi32, #tpu.memory_space<hbm>> -> memref<1x1x512xi32, #tpu.memory_space<hbm>>
      %dma_wait3A_92 = tpu.memref_squeeze %dma_wait3A_91 : memref<1x1x512xi32, #tpu.memory_space<hbm>> -> memref<512xi32, #tpu.memory_space<hbm>>
      %dma_wait3A_93 = arith.constant 0 : i32
      %dma_wait3A_94 = tpu.memref_slice %arg8[%run_scoped3A_69, %dma_wait3A_93] : memref<2x512xi32, #tpu.memory_space<vmem>> -> memref<1x512xi32, #tpu.memory_space<vmem>>
      %dma_wait3A_95 = tpu.memref_squeeze %dma_wait3A_94 : memref<1x512xi32, #tpu.memory_space<vmem>> -> memref<512xi32, #tpu.memory_space<vmem>>
      tpu.wait_dma2 semaphore(%run_scoped3A_77 : memref<!tpu.dma_semaphore, #tpu.memory_space<semaphore_mem>>) src(%dma_wait3A_95 : memref<512xi32, #tpu.memory_space<vmem>>) dst(%dma_wait3A_92 : memref<512xi32, #tpu.memory_space<hbm>>)
      tpu.yield
    }) : () -> ()
    %run_scoped3A_71 = arith.constant 0 : i32
    %run_scoped3A_72 = arith.constant 0 : i32
    "tpu.region"() ({
      %run_scoped3A_77 = tpu.sem_alloc : memref<!tpu.dma_semaphore, #tpu.memory_space<semaphore_mem>>
      %dma_start3A = arith.constant 0 : i32
      %dma_start3A_78 = tpu.memref_slice %arg9[%run_scoped3A_71, %dma_start3A] : memref<2x512xf32, #tpu.memory_space<vmem>> -> memref<1x512xf32, #tpu.memory_space<vmem>>
      %dma_start3A_79 = tpu.memref_squeeze %dma_start3A_78 : memref<1x512xf32, #tpu.memory_space<vmem>> -> memref<512xf32, #tpu.memory_space<vmem>>
      %dma_start3A_80 = tpu.memref_slice %arg5[%select_n3A, %run_scoped3A_72, %mul3A_32] : memref<4x2x4096xf32, #tpu.memory_space<hbm>> -> memref<1x1x512xf32, #tpu.memory_space<hbm>>
      %dma_start3A_81 = tpu.memref_squeeze %dma_start3A_80 : memref<1x1x512xf32, #tpu.memory_space<hbm>> -> memref<512xf32, #tpu.memory_space<hbm>>
      %dma_start3A_82 = tpu.memref_slice %arg5[%select_n3A, %run_scoped3A_72, %mul3A_32] : memref<4x2x4096xf32, #tpu.memory_space<hbm>> -> memref<1x1x512xf32, #tpu.memory_space<hbm>>
      %dma_start3A_83 = tpu.memref_squeeze %dma_start3A_82 : memref<1x1x512xf32, #tpu.memory_space<hbm>> -> memref<512xf32, #tpu.memory_space<hbm>>
      %dma_start3A_84 = arith.constant 0 : i32
      %dma_start3A_85 = tpu.memref_slice %arg9[%run_scoped3A_71, %dma_start3A_84] : memref<2x512xf32, #tpu.memory_space<vmem>> -> memref<1x512xf32, #tpu.memory_space<vmem>>
      %dma_start3A_86 = tpu.memref_squeeze %dma_start3A_85 : memref<1x512xf32, #tpu.memory_space<vmem>> -> memref<512xf32, #tpu.memory_space<vmem>>
      tpu.enqueue_dma source(%dma_start3A_86 : memref<512xf32, #tpu.memory_space<vmem>>) target(%dma_start3A_83 : memref<512xf32, #tpu.memory_space<hbm>>) target_semaphore(%run_scoped3A_77 : memref<!tpu.dma_semaphore, #tpu.memory_space<semaphore_mem>>)
      %dma_wait3A = arith.constant 0 : i32
      %dma_wait3A_87 = tpu.memref_slice %arg9[%run_scoped3A_71, %dma_wait3A] : memref<2x512xf32, #tpu.memory_space<vmem>> -> memref<1x512xf32, #tpu.memory_space<vmem>>
      %dma_wait3A_88 = tpu.memref_squeeze %dma_wait3A_87 : memref<1x512xf32, #tpu.memory_space<vmem>> -> memref<512xf32, #tpu.memory_space<vmem>>
      %dma_wait3A_89 = tpu.memref_slice %arg5[%select_n3A, %run_scoped3A_72, %mul3A_32] : memref<4x2x4096xf32, #tpu.memory_space<hbm>> -> memref<1x1x512xf32, #tpu.memory_space<hbm>>
      %dma_wait3A_90 = tpu.memref_squeeze %dma_wait3A_89 : memref<1x1x512xf32, #tpu.memory_space<hbm>> -> memref<512xf32, #tpu.memory_space<hbm>>
      %dma_wait3A_91 = tpu.memref_slice %arg5[%select_n3A, %run_scoped3A_72, %mul3A_32] : memref<4x2x4096xf32, #tpu.memory_space<hbm>> -> memref<1x1x512xf32, #tpu.memory_space<hbm>>
      %dma_wait3A_92 = tpu.memref_squeeze %dma_wait3A_91 : memref<1x1x512xf32, #tpu.memory_space<hbm>> -> memref<512xf32, #tpu.memory_space<hbm>>
      %dma_wait3A_93 = arith.constant 0 : i32
      %dma_wait3A_94 = tpu.memref_slice %arg9[%run_scoped3A_71, %dma_wait3A_93] : memref<2x512xf32, #tpu.memory_space<vmem>> -> memref<1x512xf32, #tpu.memory_space<vmem>>
      %dma_wait3A_95 = tpu.memref_squeeze %dma_wait3A_94 : memref<1x512xf32, #tpu.memory_space<vmem>> -> memref<512xf32, #tpu.memory_space<vmem>>
      tpu.wait_dma2 semaphore(%run_scoped3A_77 : memref<!tpu.dma_semaphore, #tpu.memory_space<semaphore_mem>>) src(%dma_wait3A_95 : memref<512xf32, #tpu.memory_space<vmem>>) dst(%dma_wait3A_92 : memref<512xf32, #tpu.memory_space<hbm>>)
      tpu.yield
    }) : () -> ()
    %run_scoped3A_73 = arith.constant 1 : i32
    %run_scoped3A_74 = arith.constant 1 : i32
    "tpu.region"() ({
      %run_scoped3A_77 = tpu.sem_alloc : memref<!tpu.dma_semaphore, #tpu.memory_space<semaphore_mem>>
      %dma_start3A = arith.constant 0 : i32
      %dma_start3A_78 = tpu.memref_slice %arg8[%run_scoped3A_73, %dma_start3A] : memref<2x512xi32, #tpu.memory_space<vmem>> -> memref<1x512xi32, #tpu.memory_space<vmem>>
      %dma_start3A_79 = tpu.memref_squeeze %dma_start3A_78 : memref<1x512xi32, #tpu.memory_space<vmem>> -> memref<512xi32, #tpu.memory_space<vmem>>
      %dma_start3A_80 = tpu.memref_slice %arg4[%select_n3A, %run_scoped3A_74, %mul3A_32] : memref<4x2x4096xi32, #tpu.memory_space<hbm>> -> memref<1x1x512xi32, #tpu.memory_space<hbm>>
      %dma_start3A_81 = tpu.memref_squeeze %dma_start3A_80 : memref<1x1x512xi32, #tpu.memory_space<hbm>> -> memref<512xi32, #tpu.memory_space<hbm>>
      %dma_start3A_82 = tpu.memref_slice %arg4[%select_n3A, %run_scoped3A_74, %mul3A_32] : memref<4x2x4096xi32, #tpu.memory_space<hbm>> -> memref<1x1x512xi32, #tpu.memory_space<hbm>>
      %dma_start3A_83 = tpu.memref_squeeze %dma_start3A_82 : memref<1x1x512xi32, #tpu.memory_space<hbm>> -> memref<512xi32, #tpu.memory_space<hbm>>
      %dma_start3A_84 = arith.constant 0 : i32
      %dma_start3A_85 = tpu.memref_slice %arg8[%run_scoped3A_73, %dma_start3A_84] : memref<2x512xi32, #tpu.memory_space<vmem>> -> memref<1x512xi32, #tpu.memory_space<vmem>>
      %dma_start3A_86 = tpu.memref_squeeze %dma_start3A_85 : memref<1x512xi32, #tpu.memory_space<vmem>> -> memref<512xi32, #tpu.memory_space<vmem>>
      tpu.enqueue_dma source(%dma_start3A_86 : memref<512xi32, #tpu.memory_space<vmem>>) target(%dma_start3A_83 : memref<512xi32, #tpu.memory_space<hbm>>) target_semaphore(%run_scoped3A_77 : memref<!tpu.dma_semaphore, #tpu.memory_space<semaphore_mem>>)
      %dma_wait3A = arith.constant 0 : i32
      %dma_wait3A_87 = tpu.memref_slice %arg8[%run_scoped3A_73, %dma_wait3A] : memref<2x512xi32, #tpu.memory_space<vmem>> -> memref<1x512xi32, #tpu.memory_space<vmem>>
      %dma_wait3A_88 = tpu.memref_squeeze %dma_wait3A_87 : memref<1x512xi32, #tpu.memory_space<vmem>> -> memref<512xi32, #tpu.memory_space<vmem>>
      %dma_wait3A_89 = tpu.memref_slice %arg4[%select_n3A, %run_scoped3A_74, %mul3A_32] : memref<4x2x4096xi32, #tpu.memory_space<hbm>> -> memref<1x1x512xi32, #tpu.memory_space<hbm>>
      %dma_wait3A_90 = tpu.memref_squeeze %dma_wait3A_89 : memref<1x1x512xi32, #tpu.memory_space<hbm>> -> memref<512xi32, #tpu.memory_space<hbm>>
      %dma_wait3A_91 = tpu.memref_slice %arg4[%select_n3A, %run_scoped3A_74, %mul3A_32] : memref<4x2x4096xi32, #tpu.memory_space<hbm>> -> memref<1x1x512xi32, #tpu.memory_space<hbm>>
      %dma_wait3A_92 = tpu.memref_squeeze %dma_wait3A_91 : memref<1x1x512xi32, #tpu.memory_space<hbm>> -> memref<512xi32, #tpu.memory_space<hbm>>
      %dma_wait3A_93 = arith.constant 0 : i32
      %dma_wait3A_94 = tpu.memref_slice %arg8[%run_scoped3A_73, %dma_wait3A_93] : memref<2x512xi32, #tpu.memory_space<vmem>> -> memref<1x512xi32, #tpu.memory_space<vmem>>
      %dma_wait3A_95 = tpu.memref_squeeze %dma_wait3A_94 : memref<1x512xi32, #tpu.memory_space<vmem>> -> memref<512xi32, #tpu.memory_space<vmem>>
      tpu.wait_dma2 semaphore(%run_scoped3A_77 : memref<!tpu.dma_semaphore, #tpu.memory_space<semaphore_mem>>) src(%dma_wait3A_95 : memref<512xi32, #tpu.memory_space<vmem>>) dst(%dma_wait3A_92 : memref<512xi32, #tpu.memory_space<hbm>>)
      tpu.yield
    }) : () -> ()
    %run_scoped3A_75 = arith.constant 1 : i32
    %run_scoped3A_76 = arith.constant 1 : i32
    "tpu.region"() ({
      %run_scoped3A_77 = tpu.sem_alloc : memref<!tpu.dma_semaphore, #tpu.memory_space<semaphore_mem>>
      %dma_start3A = arith.constant 0 : i32
      %dma_start3A_78 = tpu.memref_slice %arg9[%run_scoped3A_75, %dma_start3A] : memref<2x512xf32, #tpu.memory_space<vmem>> -> memref<1x512xf32, #tpu.memory_space<vmem>>
      %dma_start3A_79 = tpu.memref_squeeze %dma_start3A_78 : memref<1x512xf32, #tpu.memory_space<vmem>> -> memref<512xf32, #tpu.memory_space<vmem>>
      %dma_start3A_80 = tpu.memref_slice %arg5[%select_n3A, %run_scoped3A_76, %mul3A_32] : memref<4x2x4096xf32, #tpu.memory_space<hbm>> -> memref<1x1x512xf32, #tpu.memory_space<hbm>>
      %dma_start3A_81 = tpu.memref_squeeze %dma_start3A_80 : memref<1x1x512xf32, #tpu.memory_space<hbm>> -> memref<512xf32, #tpu.memory_space<hbm>>
      %dma_start3A_82 = tpu.memref_slice %arg5[%select_n3A, %run_scoped3A_76, %mul3A_32] : memref<4x2x4096xf32, #tpu.memory_space<hbm>> -> memref<1x1x512xf32, #tpu.memory_space<hbm>>
      %dma_start3A_83 = tpu.memref_squeeze %dma_start3A_82 : memref<1x1x512xf32, #tpu.memory_space<hbm>> -> memref<512xf32, #tpu.memory_space<hbm>>
      %dma_start3A_84 = arith.constant 0 : i32
      %dma_start3A_85 = tpu.memref_slice %arg9[%run_scoped3A_75, %dma_start3A_84] : memref<2x512xf32, #tpu.memory_space<vmem>> -> memref<1x512xf32, #tpu.memory_space<vmem>>
      %dma_start3A_86 = tpu.memref_squeeze %dma_start3A_85 : memref<1x512xf32, #tpu.memory_space<vmem>> -> memref<512xf32, #tpu.memory_space<vmem>>
      tpu.enqueue_dma source(%dma_start3A_86 : memref<512xf32, #tpu.memory_space<vmem>>) target(%dma_start3A_83 : memref<512xf32, #tpu.memory_space<hbm>>) target_semaphore(%run_scoped3A_77 : memref<!tpu.dma_semaphore, #tpu.memory_space<semaphore_mem>>)
      %dma_wait3A = arith.constant 0 : i32
      %dma_wait3A_87 = tpu.memref_slice %arg9[%run_scoped3A_75, %dma_wait3A] : memref<2x512xf32, #tpu.memory_space<vmem>> -> memref<1x512xf32, #tpu.memory_space<vmem>>
      %dma_wait3A_88 = tpu.memref_squeeze %dma_wait3A_87 : memref<1x512xf32, #tpu.memory_space<vmem>> -> memref<512xf32, #tpu.memory_space<vmem>>
      %dma_wait3A_89 = tpu.memref_slice %arg5[%select_n3A, %run_scoped3A_76, %mul3A_32] : memref<4x2x4096xf32, #tpu.memory_space<hbm>> -> memref<1x1x512xf32, #tpu.memory_space<hbm>>
      %dma_wait3A_90 = tpu.memref_squeeze %dma_wait3A_89 : memref<1x1x512xf32, #tpu.memory_space<hbm>> -> memref<512xf32, #tpu.memory_space<hbm>>
      %dma_wait3A_91 = tpu.memref_slice %arg5[%select_n3A, %run_scoped3A_76, %mul3A_32] : memref<4x2x4096xf32, #tpu.memory_space<hbm>> -> memref<1x1x512xf32, #tpu.memory_space<hbm>>
      %dma_wait3A_92 = tpu.memref_squeeze %dma_wait3A_91 : memref<1x1x512xf32, #tpu.memory_space<hbm>> -> memref<512xf32, #tpu.memory_space<hbm>>
      %dma_wait3A_93 = arith.constant 0 : i32
      %dma_wait3A_94 = tpu.memref_slice %arg9[%run_scoped3A_75, %dma_wait3A_93] : memref<2x512xf32, #tpu.memory_space<vmem>> -> memref<1x512xf32, #tpu.memory_space<vmem>>
      %dma_wait3A_95 = tpu.memref_squeeze %dma_wait3A_94 : memref<1x512xf32, #tpu.memory_space<vmem>> -> memref<512xf32, #tpu.memory_space<vmem>>
      tpu.wait_dma2 semaphore(%run_scoped3A_77 : memref<!tpu.dma_semaphore, #tpu.memory_space<semaphore_mem>>) src(%dma_wait3A_95 : memref<512xf32, #tpu.memory_space<vmem>>) dst(%dma_wait3A_92 : memref<512xf32, #tpu.memory_space<hbm>>)
      tpu.yield
    }) : () -> ()
    return
  }
}

module attributes {stable_mosaic.version = 14 : i64} {
  func.func @_gate_matmul_kernel(%arg0: i32, %arg1: memref<512x2048xf32, #tpu.memory_space<vmem>>, %arg2: memref<16x2048xf32, #tpu.memory_space<vmem>>, %arg3: memref<16x512xf32, #tpu.memory_space<vmem>>, %arg4: memref<16x1xf32, #tpu.memory_space<vmem>>, %arg5: memref<1x16x512xf32, #tpu.memory_space<vmem>>) attributes {dimension_semantics = [#tpu.dimension_semantics<arbitrary>], iteration_bounds = array<i64: 32>, scalar_prefetch = 0 : i64, scratch_operands = 0 : i64, tpu.core_type = #tpu.core_type<tc>, window_params = [{transform_indices = @transform_0, window_bounds = array<i64: 512, 2048>}, {pipeline_mode = #tpu.pipeline_mode<synchronous>, transform_indices = @transform_1, window_bounds = array<i64: 16, 2048>}, {transform_indices = @transform_2, window_bounds = array<i64: 16, 512>}, {pipeline_mode = #tpu.pipeline_mode<synchronous>, transform_indices = @transform_3, window_bounds = array<i64: 16, 1>}, {transform_indices = @transform_4, window_bounds = array<i64: 1, 16, 512>}]} {
    %get3A = arith.constant 0 : index
    %get3A_0 = arith.constant 0 : index
    %get3A_1 = vector.load %arg2[%get3A, %get3A_0] : memref<16x2048xf32, #tpu.memory_space<vmem>>, vector<16x2048xf32>
    %get3A_2 = arith.constant 0 : index
    %get3A_3 = arith.constant 0 : index
    %get3A_4 = vector.load %arg1[%get3A_2, %get3A_3] : memref<512x2048xf32, #tpu.memory_space<vmem>>, vector<512x2048xf32>
    %dot_general3A = arith.constant dense<0.000000e+00> : vector<16x512xf32>
    %dot_general3A_5 = tpu.matmul %get3A_1, %get3A_4, %dot_general3A {dimension_numbers = #tpu.dot_dimension_numbers<[1], [1], [0], [0], [0, 0, 1, 0], [], []>, transpose_lhs_hint = false} : vector<16x2048xf32>, vector<512x2048xf32>, vector<16x512xf32> -> vector<16x512xf32>
    %get3A_6 = arith.constant 0 : index
    %get3A_7 = arith.constant 0 : index
    %get3A_8 = vector.load %arg4[%get3A_6, %get3A_7] : memref<16x1xf32, #tpu.memory_space<vmem>>, vector<16x1xf32>
    %get3A_9 = arith.constant 0 : index
    %get3A_10 = arith.constant 0 : index
    %get3A_11 = vector.load %arg3[%get3A_9, %get3A_10] : memref<16x512xf32, #tpu.memory_space<vmem>>, vector<16x512xf32>
    %mul3A = vector.broadcast %get3A_8 : vector<16x1xf32> to vector<16x512xf32>
    %mul3A_12 = arith.mulf %mul3A, %get3A_11 : vector<16x512xf32>
    %add3A = arith.addf %dot_general3A_5, %mul3A_12 : vector<16x512xf32>
    %broadcast_in_dim3A = vector.shape_cast %add3A : vector<16x512xf32> to vector<1x16x512xf32>
    %swap3A = arith.constant 0 : index
    %swap3A_13 = arith.constant 0 : index
    %swap3A_14 = arith.constant 0 : index
    %swap3A_15 = vector.load %arg5[%swap3A, %swap3A_13, %swap3A_14] : memref<1x16x512xf32, #tpu.memory_space<vmem>>, vector<1x16x512xf32>
    tpu.vector_store %arg5[%swap3A, %swap3A_13, %swap3A_14], %broadcast_in_dim3A {strides = array<i32>} : memref<1x16x512xf32, #tpu.memory_space<vmem>>, vector<1x16x512xf32>,
    return
  }
  func.func @transform_0(%arg0: i32) -> (i32, i32) {
    %c0_i32 = arith.constant 0 : i32
    %c0_i32_0 = arith.constant 0 : i32
    return %arg0, %c0_i32 : i32, i32
  }
  func.func @transform_1(%arg0: i32) -> (i32, i32) {
    %c0_i32 = arith.constant 0 : i32
    %c0_i32_0 = arith.constant 0 : i32
    %c0_i32_1 = arith.constant 0 : i32
    return %c0_i32, %c0_i32_0 : i32, i32
  }
  func.func @transform_2(%arg0: i32) -> (i32, i32) {
    %c0_i32 = arith.constant 0 : i32
    %c0_i32_0 = arith.constant 0 : i32
    return %c0_i32, %arg0 : i32, i32
  }
  func.func @transform_3(%arg0: i32) -> (i32, i32) {
    %c0_i32 = arith.constant 0 : i32
    %c0_i32_0 = arith.constant 0 : i32
    %c0_i32_1 = arith.constant 0 : i32
    return %c0_i32, %c0_i32_0 : i32, i32
  }
  func.func @transform_4(%arg0: i32) -> (i32, i32, i32) {
    %c0_i32 = arith.constant 0 : i32
    %c0_i32_0 = arith.constant 0 : i32
    %c0_i32_1 = arith.constant 0 : i32
    return %arg0, %c0_i32, %c0_i32_0 : i32, i32, i32
  }
}

</mosaic_0001>

<sc_bundles>
// kernel: kernel.4.cloned.1.call-start
scs
__scs_entry_jumppad:
0x0: {  	(pc) =	sbr.rel $0x88, $3  }
0x1: {  	(tag) =	ssettag $0x0;
	lr =	simm.s32 $0x1  }
0x2: {  	[smem:$0x3F9D] =	sst lr;
	_ =	strace $0xD0000000  }
0x3: {  	_ = 	snop  }
0x4: {  	_ = 	snop  }
0x5: {  	_ = 	snop  }
0x6: {  	_ = 	snop  }
0x7: {  	_ = 	snop  }
__scs_overlays_trampoline_lowered:
0x8: {  	[smem:$0x3FAC] =	sst s0  }
0x9: {  	[smem:$0x3FAD] =	sst s1  }
0xa: {  	[smem:$0x3FAE] =	sst s2  }
0xb: {  	[smem:$0x3FAF] =	sst s3  }
0xc: {  	[smem:$0x3FB0] =	sst s4  }
0xd: {  	[smem:$0x3FB1] =	sst s5  }
0xe: {  	[smem:$0x3FB2] =	sst s6  }
0xf: {  	[smem:$0x3FB3] =	sst s7  }
0x10: {  	[smem:$0x3FB4] =	sst s8  }
0x11: {  	[smem:$0x3FB5] =	sst s9;
	s0 =	simm.s32 @!p0 $0x0  }
0x12: {  	s1 =	sld [smem:$0x3F9B];
	s0 =	simm.s32 @p0 $0x1  }
0x13: {  	[smem:$0x3FB6] =	sst s0;
	s0 =	simm.s32 @!p1 $0x0  }
0x14: {  	s2 =	sld [smem:$0x3F9A];
	s0 =	simm.s32 @p1 $0x1  }
0x15: {  	[smem:$0x3FB7] =	sst s0;
	s0 =	simm.s32 @!p2 $0x0  }
0x16: {  	s3 =	sld [smem:$0x3FDB];
	s0 =	simm.s32 @p2 $0x1  }
0x17: {  	s4 =	simm.s32 $0x1BF5;
	[smem:$0x3FB9] =	sst s0  }
0x18: {  	s0 =	sld [smem:$0x3F9C];
	_ =	swait.ge [sflag:s4], $0x0  }
0x19: {  	s7 =	sld [smem:$0x3F9D]  }
0x1a: {  	s8 =	sadd.s32 $0xFFFFE003, lr  }
0x1b: {  	s9 =	sadd.s32 $0xFFFFFEF7, lr;
	s5 =	simm.s32 $0xFFFFFFFF;
	p2 =	slt.u32 s8, $0xFFFFF086  }
0x1c: {  	p1 =	slt.u32 s9, $0xF7A;
	s5 =	simm.s32 @!p2 $0x0  }
0x1d: {  	s5 =	simm.s32 @p1 $0x1;
	p0 =	seq.s32 s7, s2  }
0x1e: {  	s7 =	smul.u32 @!p0 $0xF7A, s2;
	p2 =	seq.s32 @!p0 s5, $0x0  }
0x1f: {  	s9 =	smul.u32 $0xF7A, s1;
	s8 =	simm.s32 @!p0 $0x1BF5;
	p2 =	por !p2, p0  }
0x20: {  	[sflag:s8] =	ssyncset.s32 @!p0 $0xFFFFF086;
	s6 =	sadd.s32 @!p0 s3, s7;
	s7 =	simm.s32 @!p0 $0x108  }
0x21: {  	s3 =	sadd.s32 s3, s9;
	s6 =	sadd.s32 @!p0 $0x88, s6;
	s7 =	simm.s32 @p2 $0x1082  }
0x22: {  	[simem:s7], [sflag:s8] =	dma.local @!p0 [hbm:s6], $0xF7A  }
0x23: {  	s9 =	sor.u32 $0xD0000000, s2;
	s6 =	simm.s32 $0x108;
	_ =	swait.ge @!p0 [sflag:s8], $0x0  }
0x24: {  	s3 =	sadd.s32 $0x88, s3;
	s6 =	simm.s32 @!p1 $0x1082;
	[sflag:s4] =	ssyncset.s32 $0xFFFFF086  }
0x25: {  	[simem:s6], [sflag:s4] =	dma.local [hbm:s3], $0xF7A  }
0x26: {  	[smem:$0x3F9D] =	sst s1;
	(tag) =	ssettag s2;
	_ =	strace s9  }
0x27: {  	s1 =	sld [smem:$0x3FAD]  }
0x28: {  	s2 =	sld [smem:$0x3FAE]  }
0x29: {  	s4 =	sld [smem:$0x3FB0]  }
0x2a: {  	p0 =	seq.s32 s5, $0x0;
	s5 =	sld [smem:$0x3FB1]  }
0x2b: {  	s6 =	sld [smem:$0x3FB2]  }
0x2c: {  	s7 =	sld [smem:$0x3FB3]  }
0x2d: {  	s3 =	simm.s32 $0x108;
	s8 =	sld [smem:$0x3FB4]  }
0x2e: {  	s3 =	simm.s32 @!p0 $0x1082;
	s9 =	sld [smem:$0x3FB5]  }
0x2f: {  	lr =	sadd.s32 s0, s3;
	s0 =	sld [smem:$0x3FAC]  }
0x30: {  	s3 =	sld [smem:$0x3FAF]  }
0x31: {  	[smem:$0x3FB8] =	sst s10  }
0x32: {  	s10 =	sld [smem:$0x3FB6];
	_ =	sdelay $0x3  }
0x33: {  	p0 =	seq.s32 s10, $0x1;
	s10 =	sld [smem:$0x3FB8];
	_ =	sdelay $0x3  }
0x34: {  	[smem:$0x3FB8] =	sst s10  }
0x35: {  	s10 =	sld [smem:$0x3FB7];
	_ =	sdelay $0x3  }
0x36: {  	p1 =	seq.s32 s10, $0x1;
	s10 =	sld [smem:$0x3FB8];
	_ =	sdelay $0x3  }
0x37: {  	[smem:$0x3FB8] =	sst s10  }
0x38: {  	s10 =	sld [smem:$0x3FB9]  }
0x39: {  	_ = 	snop;
	(pc) =	sbr.ind lr, $3  }
0x3a: {  	_ = 	snop  }
0x3b: {  	_ = 	snop  }
0x3c: {  	p2 =	seq.s32 s10, $0x1;
	s10 =	sld [smem:$0x3FB8]  }
0x3d: {  	_ =	shalt  }
0x3e: {  	_ =	shalt  }
0x3f: {  	_ =	shalt  }
0x40: {  	_ =	shalt  }
0x41: {  	_ =	shalt  }
0x42: {  	_ =	shalt  }
0x43: {  	_ =	shalt  }
0x44: {  	_ =	shalt  }
0x45: {  	_ =	shalt  }
0x46: {  	_ =	shalt  }
0x47: {  	_ =	shalt  }
0x48: {  	_ =	shalt  }
0x49: {  	_ =	shalt  }
0x4a: {  	_ =	shalt  }
0x4b: {  	_ =	shalt  }
0x4c: {  	_ =	shalt  }
0x4d: {  	_ =	shalt  }
0x4e: {  	_ =	shalt  }
0x4f: {  	_ =	shalt  }
0x50: {  	_ =	shalt  }
0x51: {  	_ =	shalt  }
0x52: {  	_ =	shalt  }
0x53: {  	_ =	shalt  }
0x54: {  	_ =	shalt  }
0x55: {  	_ =	shalt  }
0x56: {  	_ =	shalt  }
0x57: {  	_ =	shalt  }
0x58: {  	_ =	shalt  }
0x59: {  	_ =	shalt  }
0x5a: {  	_ =	shalt  }
0x5b: {  	_ =	shalt  }
0x5c: {  	_ =	shalt  }
0x5d: {  	_ =	shalt  }
0x5e: {  	_ =	shalt  }
0x5f: {  	_ =	shalt  }
0x60: {  	_ =	shalt  }
0x61: {  	_ =	shalt  }
0x62: {  	_ =	shalt  }
0x63: {  	_ =	shalt  }
0x64: {  	_ =	shalt  }
0x65: {  	_ =	shalt  }
0x66: {  	_ =	shalt  }
0x67: {  	_ =	shalt  }
0x68: {  	_ =	shalt  }
0x69: {  	_ =	shalt  }
0x6a: {  	_ =	shalt  }
0x6b: {  	_ =	shalt  }
0x6c: {  	_ =	shalt  }
0x6d: {  	_ =	shalt  }
0x6e: {  	_ =	shalt  }
0x6f: {  	_ =	shalt  }
0x70: {  	_ =	shalt  }
0x71: {  	_ =	shalt  }
0x72: {  	_ =	shalt  }
0x73: {  	_ =	shalt  }
0x74: {  	_ =	shalt  }
0x75: {  	_ =	shalt  }
0x76: {  	_ =	shalt  }
0x77: {  	_ =	shalt  }
0x78: {  	_ =	shalt  }
0x79: {  	_ =	shalt  }
0x7a: {  	_ =	shalt  }
0x7b: {  	_ =	shalt  }
0x7c: {  	_ =	shalt  }
0x7d: {  	_ =	shalt  }
0x7e: {  	_ =	shalt  }
0x7f: {  	_ =	shalt  }
0x80: {  	_ =	shalt  }
0x81: {  	_ =	shalt  }
0x82: {  	_ =	shalt  }
0x83: {  	_ =	shalt  }
0x84: {  	_ =	shalt  }
0x85: {  	_ =	shalt  }
0x86: {  	_ =	shalt  }
0x87: {  	_ =	shalt  }
.Lfunc_end0:
.L_simem_size_0:
called_computation_lowered:
.L_overlay_start_0:
0x88: {  	s2 =	sld [smem:$0x3FD9]  }
0x89: {  	s3 =	sld [smem:$0x3FFE];
	_ =	sdelay $0x1  }
0x8a: {  	s1 =	srdreg.scid  }
0x8b: {  	s0 =	sand.u32 $0x1, s1  }
0x8c: {  	s14 =	sshll.u32 s0, $0xA;
	s2 =	sadd.s32 s3, s2  }
0x8d: {  	s2 =	sadd.s32 s2, s14  }
0x8e: {  	[smem:$0x3FC4] =	sst s2  }
0x8f: {  	_ = 	snop  }
0x90: {  	s2 =	sld [smem:$0x3FD0];
	_ =	sdelay $0x2  }
0x91: {  	s15 =	simm.s32 $0xA;
	s4 =	simm.s32 $0x10  }
0x92: {  	[smem:s4], [sflag:s15] =	dma.local [hbm:s2], $0x1  }
0x93: {  	_ =	swait.eq [sflag:s15], $0x1  }
0x94: {  	s16 =	sld [smem:$0x10];
	[sflag:s15] =	ssyncset.done $0x0  }
0x95: {  	s17 =	sld [smem:$0x11];
	[sflag:s15] =	ssyncadd.s32 $0xFFFFFFFF  }
0x96: {  	s18 =	sld [smem:$0x12];
	(tm) =	ssettm $0x1  }
0x97: {  	s5 =	sld [smem:$0x3FFB];
	_ =	sdelay $0x3  }
0x98: {  	_ =	strace s5  }
0x99: {  	s5 =	sld [smem:$0x3FFC];
	_ =	sdelay $0x3  }
0x9a: {  	_ =	strace s5  }
0x9b: {  	s5 =	sld [smem:$0x3FFD];
	_ =	sdelay $0x3  }
0x9c: {  	_ =	strace s5  }
0x9d: {  	_ =	strace $0x8FFFFFFF  }
0x9e: {  	s19 =	sld [smem:$0x3FDB];
	_ =	sdelay $0x1  }
0x9f: {  	s6 =	simm.s32 $_scs_section_size  }
0xa0: {  	s7 =	simm.s32 $_size__tile_overlayer_lowered;
	s8 =	simm.s32 $_tile_overlayer_lowered  }
0xa1: {  	s22 =	simm.s32 $0x1BFF;
	s21 =	sshll.u32 s8, $0x1;
	s5 =	sadd.s32 s6, s19  }
0xa2: {  	s9 =	simm.s32 $0x0;
	s20 =	sshll.u32 s7, $0x1;
	s7 =	sadd.s32 s21, s5  }
0xa3: {  	[timem:s9], [sflag:s22] =	dma.local [hbm:s7], s20  }
0xa4: {  	_ =	swait.ge [sflag:s22], s20  }
0xa5: {  	s6 =	ssub.s32 $0x0, s20;
	[sflag:s22] =	ssyncset.done $0x0  }
0xa6: {  	[sflag:s22] =	ssyncadd.s32 s6;
	_ =	sdelay $0x1  }
0xa7: {  	s23 =	simm.s32 $0x1B8B  }
0xa8: {  	_ =	swait.ge [sflag:s23], $0x1  }
0xa9: {  	[sflag:s23] =	ssyncset.done $0x0  }
0xaa: {  	s25 =	simm.s32 $0x1B8E;
	s24 =	sld [smem:$0x3FFE];
	[sflag:s23] =	ssyncadd.s32 $0xFFFFFFFF  }
0xab: {  	s26 =	simm.s32 $execute0_lowered;
	[smem:$0x3FD2] =	sst s25  }
0xac: {  	s7 =	sshll.u32 s26, $0x1;
	_ =	strace $0x80000046;
	[dreg:$0x1] =	wrdreg $0xFFFFFFFF  }
0xad: {  	s28 =	simm.s32 $_size_execute0_lowered;
	s5 =	sadd.s32 s5, s7;
	[dreg:$0x0] =	wrdreg $0x0  }
0xae: {  	s7 =	sshll.u32 s28, $0x1;
	[dreg:$0x2] =	wrdreg s5  }
0xaf: {  	[dreg:$0x3] =	wrdreg s7  }
0xb0: {  	[dreg:$0x4] =	wrdreg $0xC0  }
0xb1: {  	_ =	task [dreg:s9], $0x5FFFF  }
0xb2: {  	[dreg:$0x1] =	wrdreg $0xFFFFFFFF  }
0xb3: {  	[dreg:$0x0] =	wrdreg $0x60  }
0xb4: {  	[dreg:$0x2] =	wrdreg s24  }
0xb5: {  	[dreg:$0x3] =	wrdreg s16  }
0xb6: {  	[dreg:$0x4] =	wrdreg s17  }
0xb7: {  	[dreg:$0x5] =	wrdreg s18  }
0xb8: {  	[dreg:$0x6] =	wrdreg $0x9  }
0xb9: {  	_ =	task.clear_ibuf [dreg:s9], $0x7FFFF;
	_ =	strace $0x90000046  }
0xba: {  	s29 =	simm.s32 $0x9;
	_ =	strace $0x80000048  }
0xbb: {  	_ =	swait.ge [sflag:s29], $0x1  }
0xbc: {  	[sflag:s29] =	ssyncadd.s32 $0xFFFFFFFF  }
0xbd: {  	_ =	strace $0x90000048  }
0xbe: {  	_ =	sfence  }
0xbf: {  	s30 =	sld [smem:$0x0];
	_ =	sdelay $0x2  }
0xc0: {  	s31 =	sshll.u32 s1, $0xD;
	s1 =	sshrl.u32 s1, $0x2  }
0xc1: {  	s3 =	sand.u32 $0x4000, s31;
	s1 =	sadd.s32 s1, s30  }
0xc2: {  	s0 =	sor.u32 s3, s0;
	s1 =	sshll.u32 s1, $0x11  }
0xc3: {  	s0 =	sor.u32 s1, s0  }
0xc4: {  	s0 =	sadd.s32 $0x8F2B, s0  }
0xc5: {  	[sflag:s0] =	ssyncadd.remote.s32 $0x1  }
0xc6: {  	_ =	sfence.sel $0xFFFF  }
0xc7: {  	[dreg:$0x0] =	wrdreg $0xFFFFFFFF;
	(pc) =	sbr.abs _section_cstart, $3  }
0xc8: {  	[dreg:$0x1] =	wrdreg $0xFFFFFFFF  }
0xc9: {  	_ =	task.clear_ibuf [dreg:s9], $0x2FFFF;
	_ =	strace $0x9FFFFFFF  }
0xca: {  	(tm) =	ssettm $0x7FFFFFFF  }
0xcb: {  	_ =	shalt  }
tec
execute0_lowered:
.L_overlay_start_1:
0x0: {  	(tag) =	ssettag $0x1  }
0x1: {  	s0 =	rddreg [dreg:$0x0]  }
0x2: {  	s1 =	rddreg [dreg:$0x1]  }
0x3: {  	s3 =	rddreg [dreg:$0x2]  }
0x4: {  	s5 =	rddreg [dreg:$0x3]  }
0x5: {  	s4 =	srdreg.scid;
	s8 =	stileid.u32  }
0x6: {  	s2 =	simm.s32 $0x0;
	s30 =	simm.s32 $0x0;
	s4 =	sand.u32 $0x1, s4  }
0x7: {  	s6 =	sshll.u32 s8, $0x1;
	[smem:$0x7FF] =	sst s2;
	s16 =	sshrl.u32 s8, $0x2  }
0x8: {  	s6 =	sor.u32 s4, s6;
	_ =	strace $0x80000047;
	s4 =	ssub.s32 $0x2, s4  }
0x9: {  	s9 =	sshll.u32 s16, $0xD;
	s7 =	sshll.u32 s6, $0xA;
	s6 =	sand.u32 $0x7, s6  }
0xa: {  	s29 =	sshll.u32 s16, $0xA;
	s24 =	sshrl.u32 s4, $0x1;
	s10 =	sshll.u32 s6, $0x9  }
0xb: {  	s0 =	sadd.s32 s7, s0;
	s24 =	ssub.s32 s4, s24;
	s26 =	sshll.u32 s6, $0x7  }
0xc: {  	s25 =	sor.u32 s9, s10;
	s0 =	sadd.s32 $0xC00, s0;
	s31 =	smax.u32 s24, $0x1  }
0xd: {  	[dreg:$0x5] =	wrdreg s0;
	s4 =	sadd.s32 s1, s25;
	s0 =	sor.u32 s29, s26  }
0xe: {  	[dreg:$0x8] =	wrdreg s31;
	s25 =	simm.s32 $0x1;
	s1 =	sadd.s32 $0x10, s4  }
0xf: {  	s28 =	sadd.s32 $0x20, s4;
	s7 =	sadd.s32 $0x30, s4;
	s8 =	sadd.s32 $0x40, s4  }
0x10: {  	s9 =	sadd.s32 $0x50, s4;
	s10 =	sadd.s32 $0x60, s4;
	s11 =	sadd.s32 $0x70, s4  }
0x11: {  	s12 =	sadd.s32 $0x1000, s4;
	s13 =	sadd.s32 $0x1010, s4;
	s14 =	sadd.s32 $0x1020, s4  }
0x12: {  	s15 =	sadd.s32 $0x1030, s4;
	s16 =	sadd.s32 $0x1040, s4;
	s17 =	sadd.s32 $0x1050, s4  }
0x13: {  	s18 =	sadd.s32 $0x1060, s4;
	s19 =	sadd.s32 $0x1070, s4;
	s20 =	sadd.s32 s3, s0  }
0x14: {  	s21 =	sadd.s32 s5, s0;
	[dreg:$0x6] =	wrdreg s1;
	s1 =	sor.u32 $0x10, s0  }
0x15: {  	v0 =	vimm.s32 $0x0;
	[dreg:$0x7] =	wrdreg s28;
	s22 =	sadd.s32 s3, s1;
	s23 =	sadd.s32 s5, s1  }
.LBB2_1:
0x16: {  	s0 =	rddreg [dreg:$0x5]  }
0x17: {  	[tilespmem:s2], [sflag:$0x1] =	stream.linear.gather [hbm4b:s0+s2], $0x2000, $0x38;
	[tilespmem:$0x4800] =	vst v63  }
0x18: {  	_ =	swait.ge [sflag:s25], $0x2000  }
0x19: {  	[sflag:s25] =	ssyncset.done $0x0  }
0x1a: {  	s31 =	simm.s32 $0x0;
	s0 =	simm.s32 $0x0;
	[sflag:s25] =	ssyncadd.s32 $0xFFFFE000  }
.LBB2_2:
0x1b: {  	s1 =	sshrl.u32 s0, $0x3  }
0x1c: {  	s26 =	sand.u32 $0x70, s31;
	s3 =	sshll.u32 s1, $0xA  }
0x1d: {  	s28 =	sor.u32 s26, s3  }
0x1e: {  	v1 =	vld [tilespmem:s28+$0x80]  }
0x1f: {  	v2 =	vld [tilespmem:s28+$0x0];
	_ =	sdelay $0x2  }
0x20: {  	v3 =	vld [tilespmem:s28+$0x100]  }
0x21: {  	s5 =	sadd.s32 s3, s31;
	vm0 =	vlt.f32 v1, $-Inf;
	vm1 =	vgt.f32 v1, $-Inf  }
0x22: {  	s29 =	sor.u32 $0x180, s5;
	vm2 =	vgt.f32 v1, v2;
	vm12 =	vmor vm1, vm0  }
0x23: {  	v13 =	vld [tilespmem:s29+$0x0];
	vm15 =	vmneg vm2;
	v5 =	vnsel vm12, $0xFF800000, v1  }
0x24: {  	v5 =	vsel vm15, v5, v2  }
0x25: {  	v1 =	vsel vm15, v2, v1;
	v2 =	vimm.s32 $0x0;
	vm4 =	vgt.f32 v3, v5  }
0x26: {  	vm10 =	vgt.f32 v3, v1;
	v2 =	vsel vm4, $0xFFFFFFFF, v2;
	v5 =	vsel vm4, v3, v5  }
0x27: {  	[tilespmem:$0x1FF30] =	vst v2;
	v2 =	vld [tilespmem:s28+$0x200];
	v5 =	vsel vm10, v1, v5  }
0x28: {  	v1 =	vsel vm10, v3, v1;
	v3 =	vimm.s32 $0x0;
	vm5 =	vgt.f32 v13, v5  }
0x29: {  	v3 =	vsel vm5, $0xFFFFFFFF, v3  }
0x2a: {  	vm8 =	vgt.f32 v13, v1;
	v5 =	vsel vm5, v13, v5;
	[tilespmem:$0x1FF40] =	vst v3;
	v3 =	vld [tilespmem:s28+$0x280]  }
0x2b: {  	v5 =	vsel vm8, v1, v5  }
0x2c: {  	v1 =	vsel vm8, v13, v1;
	vm13 =	vgt.f32 v2, v5  }
0x2d: {  	v15 =	vld [tilespmem:s28+$0x300];
	vm7 =	vgt.f32 v2, v1;
	v5 =	vsel vm13, v2, v5  }
0x2e: {  	v5 =	vsel vm7, v1, v5  }
0x2f: {  	v1 =	vsel vm7, v2, v1;
	v2 =	vimm.s32 $0x0;
	vm14 =	vgt.f32 v3, v5  }
0x30: {  	s3 =	sor.u32 $0x380, s5;
	vm9 =	vgt.f32 v3, v1;
	v2 =	vsel vm14, $0xFFFFFFFF, v2;
	v5 =	vsel vm14, v3, v5  }
0x31: {  	[tilespmem:$0x1FF60] =	vst v2;
	v2 =	vld [tilespmem:s3+$0x0];
	v5 =	vsel vm9, v1, v5  }
0x32: {  	v1 =	vsel vm9, v3, v1;
	v3 =	vimm.s32 $0x0;
	vm4 =	vgt.f32 v15, v5  }
0x33: {  	s24 =	sor.u32 $0x1000, s28;
	v3 =	vsel vm4, $0xFFFFFFFF, v3  }
0x34: {  	vm11 =	vgt.f32 v15, v1;
	v5 =	vsel vm4, v15, v5;
	[tilespmem:$0x1FF70] =	vst v3;
	v3 =	vld [tilespmem:s24+$0x0]  }
0x35: {  	v4 =	vimm.s32 $0x0;
	v14 =	vimm.s32 $0x0;
	v5 =	vsel vm11, v1, v5  }
0x36: {  	s6 =	sor.u32 $0x1080, s28;
	v4 =	vsel vm2, $0xFFFFFFFF, v4;
	v1 =	vsel vm11, v15, v1;
	vm5 =	vgt.f32 v2, v5  }
0x37: {  	v17 =	vld [tilespmem:s6+$0x0];
	[tilespmem:$0x1FF20] =	vst v4;
	v4 =	vsel vm13, $0xFFFFFFFF, v14;
	vm13 =	vgt.f32 v2, v1;
	v5 =	vsel vm5, v2, v5  }
0x38: {  	v5 =	vsel vm13, v1, v5  }
0x39: {  	v1 =	vsel vm13, v2, v1;
	v2 =	vimm.s32 $0x0;
	vm6 =	vgt.f32 v3, v5  }
0x3a: {  	s6 =	sor.u32 $0x1100, s28;
	v2 =	vsel vm6, $0xFFFFFFFF, v2;
	v5 =	vsel vm6, v3, v5;
	vm6 =	vgt.f32 v3, v1  }
0x3b: {  	[tilespmem:$0x1FF90] =	vst v2;
	v2 =	vld [tilespmem:s6+$0x0];
	v5 =	vsel vm6, v1, v5  }
0x3c: {  	v1 =	vsel vm6, v3, v1;
	v3 =	vimm.s32 $0x0;
	vm14 =	vgt.f32 v17, v5  }
0x3d: {  	v16 =	vimm.s32 $0x0;
	[tilespmem:$0x1FF50] =	vst v4;
	s24 =	sor.u32 $0x1180, s5;
	v3 =	vsel vm14, $0xFFFFFFFF, v3  }
0x3e: {  	v4 =	vsel vm5, $0xFFFFFFFF, v16;
	vm5 =	vgt.f32 v17, v1;
	v5 =	vsel vm14, v17, v5;
	[tilespmem:$0x1FFA0] =	vst v3;
	v3 =	vld [tilespmem:s24+$0x0]  }
0x3f: {  	v5 =	vsel vm5, v1, v5  }
0x40: {  	v18 =	vimm.s32 $0x0;
	s6 =	sor.u32 $0x1200, s28;
	v1 =	vsel vm5, v17, v1;
	vm4 =	vgt.f32 v2, v5  }
0x41: {  	[tilespmem:$0x1FF80] =	vst v4;
	v19 =	vld [tilespmem:s6+$0x0];
	v4 =	vsel vm4, $0xFFFFFFFF, v18;
	v5 =	vsel vm4, v2, v5;
	vm4 =	vgt.f32 v2, v1  }
0x42: {  	v5 =	vsel vm4, v1, v5  }
0x43: {  	v1 =	vsel vm4, v2, v1;
	v2 =	vimm.s32 $0x0;
	vm14 =	vgt.f32 v3, v5  }
0x44: {  	s6 =	sor.u32 $0x1280, s28;
	vm3 =	vgt.f32 v3, v1;
	v2 =	vsel vm14, $0xFFFFFFFF, v2;
	v5 =	vsel vm14, v3, v5  }
0x45: {  	[tilespmem:$0x1FFC0] =	vst v2;
	v2 =	vld [tilespmem:s6+$0x0];
	v5 =	vsel vm3, v1, v5  }
0x46: {  	v1 =	vsel vm3, v3, v1;
	v3 =	vimm.s32 $0x0;
	vm14 =	vgt.f32 v19, v5  }
0x47: {  	s6 =	sor.u32 $0x1300, s28;
	v3 =	vsel vm14, $0xFFFFFFFF, v3  }
0x48: {  	vm2 =	vgt.f32 v19, v1;
	v5 =	vsel vm14, v19, v5;
	[tilespmem:$0x1FFD0] =	vst v3;
	v3 =	vld [tilespmem:s6+$0x0]  }
0x49: {  	v5 =	vsel vm2, v1, v5  }
0x4a: {  	v1 =	vsel vm2, v19, v1;
	vm14 =	vgt.f32 v2, v5  }
0x4b: {  	v20 =	vimm.s32 $0x0;
	vm1 =	vgt.f32 v2, v1;
	v5 =	vsel vm14, v2, v5  }
0x4c: {  	[tilespmem:$0x1FFB0] =	vst v4;
	v4 =	vsel vm14, $0xFFFFFFFF, v20;
	v5 =	vsel vm1, v1, v5  }
0x4d: {  	v1 =	vsel vm1, v2, v1;
	v2 =	vimm.s32 $0x0;
	vm14 =	vgt.f32 v3, v5  }
0x4e: {  	s5 =	sor.u32 $0x1380, s5;
	v2 =	vsel vm14, $0xFFFFFFFF, v2  }
0x4f: {  	v21 =	vld [tilespmem:s5+$0x0];
	vm0 =	vgt.f32 v3, v1;
	[tilespmem:$0x1FFF0] =	vst v2;
	v2 =	vsel vm14, v3, v5  }
0x50: {  	v3 =	vsel vm0, v3, v1;
	v2 =	vsel vm0, v1, v2;
	v1 =	vld [tilespmem:$0x1FF20];
	_ =	sdelay $0x2  }
0x51: {  	vm12 =	vmand vm15, vm12  }
0x52: {  	v22 =	vsel vm12, $0x1, v0;
	vm12 =	vgt.f32 v21, v2  }
0x53: {  	vm15 =	vnez.u8 v1;
	v1 =	vsel vm12, v21, v2;
	v2 =	vld [tilespmem:$0x1FF30];
	_ =	sdelay $0x1  }
0x54: {  	v24 =	vld [tilespmem:$0x1FF40];
	_ =	sdelay $0x1  }
0x55: {  	v25 =	vld [tilespmem:$0x1FF50]  }
0x56: {  	v6 =	vsel vm15, $0x1, v0;
	vm15 =	vgt.f32 v21, v3;
	vm14 =	vnez.u8 v2  }
0x57: {  	v27 =	vld [tilespmem:$0x1FF60];
	v1 =	vsel vm15, v3, v1;
	v5 =	vsel vm14, $0x2, v22  }
0x58: {  	v2 =	vsel vm15, v21, v3;
	vm14 =	vnez.u8 v24;
	v3 =	vsel vm10, v6, v5  }
0x59: {  	v28 =	vld [tilespmem:$0x1FF70];
	[tilespmem:$0x1FFE0] =	vst v4;
	v23 =	vsel vm10, $0x2, v6;
	v4 =	vsub.f32 v1, v2;
	v3 =	vsel vm14, $0x3, v3  }
0x5a: {  	vm14 =	vnez.u8 v25;
	v3 =	vsel vm8, v23, v3  }
0x5b: {  	v29 =	vld [tilespmem:$0x1FF80];
	v5 =	vsel vm8, $0x3, v23;
	v4 =	vmul.f32 $1.442695020e+00, v4;
	v3 =	vsel vm14, $0x4, v3  }
0x5c: {  	vm14 =	vnez.u8 v27;
	v3 =	vsel vm7, v5, v3  }
0x5d: {  	v30 =	vld [tilespmem:$0x1FF90];
	v26 =	vsel vm7, $0x4, v5;
	(erf) = vpow2.f32 v4;
	v3 =	vsel vm14, $0x5, v3  }
0x5e: {  	vm10 =	vnez.u8 v28;
	v3 =	vsel vm9, v26, v3  }
0x5f: {  	v31 =	vld [tilespmem:$0x1FFA0];
	v4 =	vsel vm9, $0x5, v26;
	v3 =	vsel vm10, $0x6, v3  }
0x60: {  	vm14 =	vnez.u8 v29;
	v3 =	vsel vm11, v4, v3  }
0x61: {  	v7 =	vld [tilespmem:$0x1FFB0];
	v4 =	vsel vm11, $0x6, v4;
	v3 =	vsel vm14, $0x7, v3  }
0x62: {  	vm9 =	vnez.u8 v30;
	v3 =	vsel vm13, v4, v3  }
0x63: {  	v34 =	vld [tilespmem:$0x1FFC0];
	v4 =	vsel vm13, $0x7, v4;
	v3 =	vsel vm9, $0x8, v3  }
0x64: {  	vm10 =	vnez.u8 v31;
	v3 =	vsel vm6, v4, v3  }
0x65: {  	v35 =	vld [tilespmem:$0x1FFD0];
	v4 =	vsel vm6, $0x8, v4;
	v3 =	vsel vm10, $0x9, v3  }
0x66: {  	vm11 =	vnez.u8 v7;
	v32 =	vpop (erf);
	v3 =	vsel vm5, v4, v3  }
0x67: {  	v36 =	vld [tilespmem:$0x1FFE0];
	v33 =	vadd.f32 $1.000000000e+00, v32;
	v4 =	vsel vm5, $0x9, v4;
	v3 =	vsel vm11, $0xA, v3  }
0x68: {  	vm13 =	vnez.u8 v34;
	v3 =	vsel vm4, v4, v3  }
0x69: {  	v37 =	vld [tilespmem:$0x1FFF0];
	(erf) = vrcp.f32 v33;
	v4 =	vsel vm4, $0xA, v4;
	v3 =	vsel vm13, $0xB, v3  }
0x6a: {  	vm14 =	vnez.u8 v35;
	v3 =	vsel vm3, v4, v3  }
0x6b: {  	v4 =	vsel vm3, $0xB, v4;
	v3 =	vsel vm14, $0xC, v3  }
0x6c: {  	vm6 =	vnez.u8 v36;
	v3 =	vsel vm2, v4, v3  }
0x6d: {  	v4 =	vsel vm2, $0xC, v4;
	v3 =	vsel vm6, $0xD, v3  }
0x6e: {  	vm7 =	vnez.u8 v37;
	v3 =	vsel vm1, v4, v3  }
0x6f: {  	v4 =	vsel vm1, $0xD, v4;
	v3 =	vsel vm7, $0xE, v3  }
0x70: {  	v3 =	vsel vm0, v4, v3  }
0x71: {  	v4 =	vsel vm0, $0xE, v4;
	v3 =	vsel vm12, $0xF, v3  }
0x72: {  	v38 =	vpop (erf);
	v3 =	vsel vm15, v4, v3;
	v4 =	vsel vm15, $0xF, v4  }
0x73: {  	v5 =	vmul.f32 v38, v32;
	vm8 =	veq.s32 v4, $0x0  }
0x74: {  	vm9 =	veq.s32 v3, $0x0;
	vm10 =	veq.s32 v4, $0x1;
	vm11 =	veq.s32 v3, $0x1  }
0x75: {  	vm12 =	veq.s32 v4, $0x2;
	vm13 =	veq.s32 v3, $0x2;
	vm14 =	veq.s32 v4, $0x3  }
0x76: {  	vm15 =	veq.s32 v3, $0x3;
	vm4 =	veq.s32 v4, $0x4;
	vm5 =	veq.s32 v3, $0x4  }
0x77: {  	vm6 =	veq.s32 v4, $0x5;
	vm7 =	veq.s32 v3, $0x5;
	v39 =	vnsel vm8, $0x0, v38  }
0x78: {  	v8 =	vnsel vm9, $0x0, v5;
	v40 =	vnsel vm10, $0x0, v38;
	v9 =	vnsel vm11, $0x0, v5  }
0x79: {  	v41 =	vnsel vm12, $0x0, v38;
	v10 =	vnsel vm13, $0x0, v5;
	v42 =	vnsel vm14, $0x0, v38  }
0x7a: {  	v11 =	vnsel vm15, $0x0, v5;
	v43 =	vnsel vm4, $0x0, v38;
	v12 =	vnsel vm5, $0x0, v5  }
0x7b: {  	v44 =	vnsel vm6, $0x0, v38;
	v13 =	vnsel vm7, $0x0, v5;
	vm8 =	veq.s32 v4, $0x6  }
0x7c: {  	vm9 =	veq.s32 v3, $0x6;
	vm10 =	veq.s32 v4, $0x7;
	vm11 =	veq.s32 v3, $0x7  }
0x7d: {  	vm12 =	veq.s32 v4, $0x8;
	vm13 =	veq.s32 v3, $0x8;
	vm14 =	veq.s32 v4, $0x9  }
0x7e: {  	vm15 =	veq.s32 v3, $0x9;
	vm4 =	veq.s32 v4, $0xA;
	vm5 =	veq.s32 v3, $0xA  }
0x7f: {  	vm6 =	veq.s32 v4, $0xB;
	v7 =	vadd.f32 v8, v39;
	v8 =	vadd.f32 v9, v40  }
0x80: {  	vm7 =	veq.s32 v3, $0xB;
	v9 =	vadd.f32 v10, v41;
	v10 =	vadd.f32 v11, v42  }
0x81: {  	v11 =	vadd.f32 v12, v43;
	v12 =	vadd.f32 v13, v44;
	v45 =	vnsel vm8, $0x0, v38;
	[tilespmem:s28+$0x2000] =	vst v7  }
0x82: {  	v14 =	vnsel vm9, $0x0, v5;
	v46 =	vnsel vm10, $0x0, v38;
	v15 =	vnsel vm11, $0x0, v5;
	[tilespmem:s28+$0x2080] =	vst v8  }
0x83: {  	v48 =	vnsel vm12, $0x0, v38;
	v49 =	vnsel vm13, $0x0, v5;
	v50 =	vnsel vm14, $0x0, v38;
	[tilespmem:s28+$0x2100] =	vst v9  }
0x84: {  	v51 =	vnsel vm15, $0x0, v5;
	v52 =	vnsel vm4, $0x0, v38;
	v53 =	vnsel vm5, $0x0, v5;
	[tilespmem:s29+$0x2000] =	vst v10  }
0x85: {  	v54 =	vnsel vm6, $0x0, v38;
	v55 =	vnsel vm7, $0x0, v5;
	v13 =	vadd.f32 v14, v45;
	[tilespmem:s28+$0x2200] =	vst v11  }
0x86: {  	vm8 =	veq.s32 v4, $0xC;
	vm9 =	veq.s32 v3, $0xC;
	v47 =	vadd.f32 v15, v46;
	[tilespmem:s28+$0x2280] =	vst v12  }
0x87: {  	vm10 =	veq.s32 v4, $0xD;
	vm11 =	veq.s32 v3, $0xD;
	v8 =	vadd.f32 v49, v48;
	[tilespmem:s28+$0x2300] =	vst v13  }
0x88: {  	vm12 =	veq.s32 v4, $0xE;
	vm13 =	veq.s32 v3, $0xE;
	v9 =	vadd.f32 v51, v50;
	[tilespmem:s3+$0x2000] =	vst v47  }
0x89: {  	vm14 =	veq.s32 v4, $0xF;
	vm15 =	veq.s32 v3, $0xF;
	v10 =	vadd.f32 v53, v52;
	[tilespmem:s28+$0x3000] =	vst v8  }
0x8a: {  	v56 =	vadd.f32 v55, v54;
	v57 =	vnsel vm8, $0x0, v38;
	v58 =	vnsel vm9, $0x0, v5;
	[tilespmem:s28+$0x3080] =	vst v9  }
0x8b: {  	v60 =	vnsel vm10, $0x0, v38;
	v61 =	vnsel vm11, $0x0, v5;
	v59 =	vadd.f32 v58, v57;
	[tilespmem:s28+$0x3100] =	vst v10  }
0x8c: {  	v62 =	vnsel vm12, $0x0, v38;
	v63 =	vnsel vm13, $0x0, v5;
	v9 =	vadd.f32 v61, v60;
	[tilespmem:s24+$0x2000] =	vst v56  }
0x8d: {  	v6 =	vnsel vm14, $0x0, v38;
	v5 =	vnsel vm15, $0x0, v5;
	v7 =	vadd.f32 v63, v62;
	[tilespmem:s28+$0x3200] =	vst v59  }
0x8e: {  	v5 =	vadd.f32 v5, v6;
	[tilespmem:s28+$0x3280] =	vst v9  }
0x8f: {  	p0 =	sne.s32 s0, $0x1F;
	s1 =	sshll.u32 s1, $0x8;
	[tilespmem:s28+$0x3300] =	vst v7  }
.Ltmp0:
0x90: {  	s1 =	sor.u32 s26, s1;
	[tilespmem:s5+$0x2000] =	vst v5;
	(pc) =	sbr.rel @p0 .LBB2_2-.Ltmp0, $4  }
0x91: {  	[tilespmem:s1+$0x4000] =	vst v4  }
0x92: {  	[tilespmem:s1+$0x4080] =	vst v3  }
0x93: {  	[tilespmem:s1+$0x4400] =	vst v2  }
0x94: {  	s0 =	sadd.s32 $0x1, s0;
	s31 =	sadd.s32 $0x10, s31;
	[tilespmem:s1+$0x4480] =	vst v1  }
0x95: {  	s0 =	simm.s32 $0x2000  }
0x96: {  	[hbm4b:s4+s2] =	stream.linear.scatter [tilespmem:s0], [sflag:$0x1], $0x80, $0x38;
	[tilespmem:$0x4800] =	vst v63  }
0x97: {  	s31 =	sadd.s32 $0x80, s4;
	s1 =	simm.s32 $0x2400  }
0x98: {  	[hbm4b:s31+s2] =	stream.linear.scatter [tilespmem:s1], [sflag:$0x1], $0x80, $0x38;
	[tilespmem:$0x4800] =	vst v63  }
0x99: {  	s3 =	simm.s32 $0x2800;
	s1 =	sadd.s32 $0x100, s4  }
0x9a: {  	[hbm4b:s1+s2] =	stream.linear.scatter [tilespmem:s3], [sflag:$0x1], $0x80, $0x38;
	[tilespmem:$0x4800] =	vst v63  }
0x9b: {  	s5 =	sadd.s32 $0x180, s4;
	s6 =	simm.s32 $0x2C00  }
0x9c: {  	[hbm4b:s5+s2] =	stream.linear.scatter [tilespmem:s6], [sflag:$0x1], $0x80, $0x38;
	[tilespmem:$0x4800] =	vst v63  }
0x9d: {  	_ =	swait.ge [sflag:s25], $0x200  }
0x9e: {  	[sflag:s25] =	ssyncset.done $0x0  }
0x9f: {  	s26 =	simm.s32 $0x2080;
	s24 =	rddreg [dreg:$0x6];
	[sflag:s25] =	ssyncadd.s32 $0xFFFFFE00  }
0xa0: {  	[hbm4b:s24+s2] =	stream.linear.scatter [tilespmem:s26], [sflag:$0x1], $0x80, $0x38;
	[tilespmem:$0x4800] =	vst v63  }
0xa1: {  	s3 =	simm.s32 $0x2480;
	s28 =	sadd.s32 $0x80, s24  }
0xa2: {  	[hbm4b:s28+s2] =	stream.linear.scatter [tilespmem:s3], [sflag:$0x1], $0x80, $0x38;
	[tilespmem:$0x4800] =	vst v63  }
0xa3: {  	s31 =	simm.s32 $0x2880;
	s29 =	sadd.s32 $0x100, s24  }
0xa4: {  	[hbm4b:s29+s2] =	stream.linear.scatter [tilespmem:s31], [sflag:$0x1], $0x80, $0x38;
	[tilespmem:$0x4800] =	vst v63  }
0xa5: {  	s5 =	simm.s32 $0x2C80;
	s3 =	sadd.s32 $0x180, s24  }
0xa6: {  	[hbm4b:s3+s2] =	stream.linear.scatter [tilespmem:s5], [sflag:$0x1], $0x80, $0x38;
	[tilespmem:$0x4800] =	vst v63  }
0xa7: {  	_ =	swait.ge [sflag:s25], $0x200  }
0xa8: {  	[sflag:s25] =	ssyncset.done $0x0  }
0xa9: {  	s24 =	simm.s32 $0x2100;
	s6 =	rddreg [dreg:$0x7];
	[sflag:s25] =	ssyncadd.s32 $0xFFFFFE00  }
0xaa: {  	[hbm4b:s6+s2] =	stream.linear.scatter [tilespmem:s24], [sflag:$0x1], $0x80, $0x38;
	[tilespmem:$0x4800] =	vst v63  }
0xab: {  	s28 =	simm.s32 $0x2500;
	s26 =	sadd.s32 $0x80, s6  }
0xac: {  	[hbm4b:s26+s2] =	stream.linear.scatter [tilespmem:s28], [sflag:$0x1], $0x80, $0x38;
	[tilespmem:$0x4800] =	vst v63  }
0xad: {  	s31 =	simm.s32 $0x2900;
	s29 =	sadd.s32 $0x100, s6  }
0xae: {  	[hbm4b:s29+s2] =	stream.linear.scatter [tilespmem:s31], [sflag:$0x1], $0x80, $0x38;
	[tilespmem:$0x4800] =	vst v63  }
0xaf: {  	s3 =	simm.s32 $0x2D00;
	s1 =	sadd.s32 $0x180, s6  }
0xb0: {  	[hbm4b:s1+s2] =	stream.linear.scatter [tilespmem:s3], [sflag:$0x1], $0x80, $0x38;
	[tilespmem:$0x4800] =	vst v63  }
0xb1: {  	_ =	swait.ge [sflag:s25], $0x200  }
0xb2: {  	[sflag:s25] =	ssyncset.done $0x0  }
0xb3: {  	s5 =	simm.s32 $0x2180;
	[sflag:s25] =	ssyncadd.s32 $0xFFFFFE00  }
0xb4: {  	[hbm4b:s7+s2] =	stream.linear.scatter [tilespmem:s5], [sflag:$0x1], $0x80, $0x38;
	[tilespmem:$0x4800] =	vst v63  }
0xb5: {  	s6 =	sadd.s32 $0x80, s7;
	s24 =	simm.s32 $0x2580  }
0xb6: {  	[hbm4b:s6+s2] =	stream.linear.scatter [tilespmem:s24], [sflag:$0x1], $0x80, $0x38;
	[tilespmem:$0x4800] =	vst v63  }
0xb7: {  	s26 =	sadd.s32 $0x100, s7;
	s28 =	simm.s32 $0x2980  }
0xb8: {  	[hbm4b:s26+s2] =	stream.linear.scatter [tilespmem:s28], [sflag:$0x1], $0x80, $0x38;
	[tilespmem:$0x4800] =	vst v63  }
0xb9: {  	s29 =	sadd.s32 $0x180, s7;
	s31 =	simm.s32 $0x2D80  }
0xba: {  	[hbm4b:s29+s2] =	stream.linear.scatter [tilespmem:s31], [sflag:$0x1], $0x80, $0x38;
	[tilespmem:$0x4800] =	vst v63  }
0xbb: {  	_ =	swait.ge [sflag:s25], $0x200  }
0xbc: {  	[sflag:s25] =	ssyncset.done $0x0  }
0xbd: {  	s3 =	simm.s32 $0x2200;
	[sflag:s25] =	ssyncadd.s32 $0xFFFFFE00  }
0xbe: {  	[hbm4b:s8+s2] =	stream.linear.scatter [tilespmem:s3], [sflag:$0x1], $0x80, $0x38;
	[tilespmem:$0x4800] =	vst v63  }
0xbf: {  	s5 =	sadd.s32 $0x80, s8;
	s6 =	simm.s32 $0x2600  }
0xc0: {  	[hbm4b:s5+s2] =	stream.linear.scatter [tilespmem:s6], [sflag:$0x1], $0x80, $0x38;
	[tilespmem:$0x4800] =	vst v63  }
0xc1: {  	s24 =	sadd.s32 $0x100, s8;
	s26 =	simm.s32 $0x2A00  }
0xc2: {  	[hbm4b:s24+s2] =	stream.linear.scatter [tilespmem:s26], [sflag:$0x1], $0x80, $0x38;
	[tilespmem:$0x4800] =	vst v63  }
0xc3: {  	s28 =	sadd.s32 $0x180, s8;
	s29 =	simm.s32 $0x2E00  }
0xc4: {  	[hbm4b:s28+s2] =	stream.linear.scatter [tilespmem:s29], [sflag:$0x1], $0x80, $0x38;
	[tilespmem:$0x4800] =	vst v63  }
0xc5: {  	_ =	swait.ge [sflag:s25], $0x200  }
0xc6: {  	[sflag:s25] =	ssyncset.done $0x0  }
0xc7: {  	s31 =	simm.s32 $0x2280;
	[sflag:s25] =	ssyncadd.s32 $0xFFFFFE00  }
0xc8: {  	[hbm4b:s9+s2] =	stream.linear.scatter [tilespmem:s31], [sflag:$0x1], $0x80, $0x38;
	[tilespmem:$0x4800] =	vst v63  }
0xc9: {  	s1 =	sadd.s32 $0x80, s9;
	s3 =	simm.s32 $0x2680  }
0xca: {  	[hbm4b:s1+s2] =	stream.linear.scatter [tilespmem:s3], [sflag:$0x1], $0x80, $0x38;
	[tilespmem:$0x4800] =	vst v63  }
0xcb: {  	s5 =	sadd.s32 $0x100, s9;
	s6 =	simm.s32 $0x2A80  }
0xcc: {  	[hbm4b:s5+s2] =	stream.linear.scatter [tilespmem:s6], [sflag:$0x1], $0x80, $0x38;
	[tilespmem:$0x4800] =	vst v63  }
0xcd: {  	s24 =	sadd.s32 $0x180, s9;
	s26 =	simm.s32 $0x2E80  }
0xce: {  	[hbm4b:s24+s2] =	stream.linear.scatter [tilespmem:s26], [sflag:$0x1], $0x80, $0x38;
	[tilespmem:$0x4800] =	vst v63  }
0xcf: {  	_ =	swait.ge [sflag:s25], $0x200  }
0xd0: {  	[sflag:s25] =	ssyncset.done $0x0  }
0xd1: {  	s28 =	simm.s32 $0x2300;
	[sflag:s25] =	ssyncadd.s32 $0xFFFFFE00  }
0xd2: {  	[hbm4b:s10+s2] =	stream.linear.scatter [tilespmem:s28], [sflag:$0x1], $0x80, $0x38;
	[tilespmem:$0x4800] =	vst v63  }
0xd3: {  	s29 =	sadd.s32 $0x80, s10;
	s31 =	simm.s32 $0x2700  }
0xd4: {  	[hbm4b:s29+s2] =	stream.linear.scatter [tilespmem:s31], [sflag:$0x1], $0x80, $0x38;
	[tilespmem:$0x4800] =	vst v63  }
0xd5: {  	s1 =	sadd.s32 $0x100, s10;
	s3 =	simm.s32 $0x2B00  }
0xd6: {  	[hbm4b:s1+s2] =	stream.linear.scatter [tilespmem:s3], [sflag:$0x1], $0x80, $0x38;
	[tilespmem:$0x4800] =	vst v63  }
0xd7: {  	s5 =	sadd.s32 $0x180, s10;
	s6 =	simm.s32 $0x2F00  }
0xd8: {  	[hbm4b:s5+s2] =	stream.linear.scatter [tilespmem:s6], [sflag:$0x1], $0x80, $0x38;
	[tilespmem:$0x4800] =	vst v63  }
0xd9: {  	_ =	swait.ge [sflag:s25], $0x200  }
0xda: {  	[sflag:s25] =	ssyncset.done $0x0  }
0xdb: {  	s24 =	simm.s32 $0x2380;
	[sflag:s25] =	ssyncadd.s32 $0xFFFFFE00  }
0xdc: {  	[hbm4b:s11+s2] =	stream.linear.scatter [tilespmem:s24], [sflag:$0x1], $0x80, $0x38;
	[tilespmem:$0x4800] =	vst v63  }
0xdd: {  	s26 =	sadd.s32 $0x80, s11;
	s28 =	simm.s32 $0x2780  }
0xde: {  	[hbm4b:s26+s2] =	stream.linear.scatter [tilespmem:s28], [sflag:$0x1], $0x80, $0x38;
	[tilespmem:$0x4800] =	vst v63  }
0xdf: {  	s29 =	sadd.s32 $0x100, s11;
	s31 =	simm.s32 $0x2B80  }
0xe0: {  	[hbm4b:s29+s2] =	stream.linear.scatter [tilespmem:s31], [sflag:$0x1], $0x80, $0x38;
	[tilespmem:$0x4800] =	vst v63  }
0xe1: {  	s1 =	sadd.s32 $0x180, s11;
	s3 =	simm.s32 $0x2F80  }
0xe2: {  	[hbm4b:s1+s2] =	stream.linear.scatter [tilespmem:s3], [sflag:$0x1], $0x80, $0x38;
	[tilespmem:$0x4800] =	vst v63  }
0xe3: {  	_ =	swait.ge [sflag:s25], $0x200  }
0xe4: {  	[sflag:s25] =	ssyncset.done $0x0  }
0xe5: {  	s5 =	simm.s32 $0x3000;
	[sflag:s25] =	ssyncadd.s32 $0xFFFFFE00  }
0xe6: {  	[hbm4b:s12+s2] =	stream.linear.scatter [tilespmem:s5], [sflag:$0x1], $0x80, $0x38;
	[tilespmem:$0x4800] =	vst v63  }
0xe7: {  	s6 =	sadd.s32 $0x80, s12;
	s24 =	simm.s32 $0x3400  }
0xe8: {  	[hbm4b:s6+s2] =	stream.linear.scatter [tilespmem:s24], [sflag:$0x1], $0x80, $0x38;
	[tilespmem:$0x4800] =	vst v63  }
0xe9: {  	s26 =	sadd.s32 $0x100, s12;
	s28 =	simm.s32 $0x3800  }
0xea: {  	[hbm4b:s26+s2] =	stream.linear.scatter [tilespmem:s28], [sflag:$0x1], $0x80, $0x38;
	[tilespmem:$0x4800] =	vst v63  }
0xeb: {  	s29 =	sadd.s32 $0x180, s12;
	s31 =	simm.s32 $0x3C00  }
0xec: {  	[hbm4b:s29+s2] =	stream.linear.scatter [tilespmem:s31], [sflag:$0x1], $0x80, $0x38;
	[tilespmem:$0x4800] =	vst v63  }
0xed: {  	_ =	swait.ge [sflag:s25], $0x200  }
0xee: {  	[sflag:s25] =	ssyncset.done $0x0  }
0xef: {  	s3 =	simm.s32 $0x3080;
	[sflag:s25] =	ssyncadd.s32 $0xFFFFFE00  }
0xf0: {  	[hbm4b:s13+s2] =	stream.linear.scatter [tilespmem:s3], [sflag:$0x1], $0x80, $0x38;
	[tilespmem:$0x4800] =	vst v63  }
0xf1: {  	s5 =	sadd.s32 $0x80, s13;
	s6 =	simm.s32 $0x3480  }
0xf2: {  	[hbm4b:s5+s2] =	stream.linear.scatter [tilespmem:s6], [sflag:$0x1], $0x80, $0x38;
	[tilespmem:$0x4800] =	vst v63  }
0xf3: {  	s24 =	sadd.s32 $0x100, s13;
	s26 =	simm.s32 $0x3880  }
0xf4: {  	[hbm4b:s24+s2] =	stream.linear.scatter [tilespmem:s26], [sflag:$0x1], $0x80, $0x38;
	[tilespmem:$0x4800] =	vst v63  }
0xf5: {  	s28 =	sadd.s32 $0x180, s13;
	s29 =	simm.s32 $0x3C80  }
0xf6: {  	[hbm4b:s28+s2] =	stream.linear.scatter [tilespmem:s29], [sflag:$0x1], $0x80, $0x38;
	[tilespmem:$0x4800] =	vst v63  }
0xf7: {  	_ =	swait.ge [sflag:s25], $0x200  }
0xf8: {  	[sflag:s25] =	ssyncset.done $0x0  }
0xf9: {  	s31 =	simm.s32 $0x3100;
	[sflag:s25] =	ssyncadd.s32 $0xFFFFFE00  }
0xfa: {  	[hbm4b:s14+s2] =	stream.linear.scatter [tilespmem:s31], [sflag:$0x1], $0x80, $0x38;
	[tilespmem:$0x4800] =	vst v63  }
0xfb: {  	s1 =	sadd.s32 $0x80, s14;
	s3 =	simm.s32 $0x3500  }
0xfc: {  	[hbm4b:s1+s2] =	stream.linear.scatter [tilespmem:s3], [sflag:$0x1], $0x80, $0x38;
	[tilespmem:$0x4800] =	vst v63  }
0xfd: {  	s5 =	sadd.s32 $0x100, s14;
	s6 =	simm.s32 $0x3900  }
0xfe: {  	[hbm4b:s5+s2] =	stream.linear.scatter [tilespmem:s6], [sflag:$0x1], $0x80, $0x38;
	[tilespmem:$0x4800] =	vst v63  }
0xff: {  	s24 =	sadd.s32 $0x180, s14;
	s26 =	simm.s32 $0x3D00  }
0x100: {  	[hbm4b:s24+s2] =	stream.linear.scatter [tilespmem:s26], [sflag:$0x1], $0x80, $0x38;
	[tilespmem:$0x4800] =	vst v63  }
0x101: {  	_ =	swait.ge [sflag:s25], $0x200  }
0x102: {  	[sflag:s25] =	ssyncset.done $0x0  }
0x103: {  	s28 =	simm.s32 $0x3180;
	[sflag:s25] =	ssyncadd.s32 $0xFFFFFE00  }
0x104: {  	[hbm4b:s15+s2] =	stream.linear.scatter [tilespmem:s28], [sflag:$0x1], $0x80, $0x38;
	[tilespmem:$0x4800] =	vst v63  }
0x105: {  	s29 =	sadd.s32 $0x80, s15;
	s31 =	simm.s32 $0x3580  }
0x106: {  	[hbm4b:s29+s2] =	stream.linear.scatter [tilespmem:s31], [sflag:$0x1], $0x80, $0x38;
	[tilespmem:$0x4800] =	vst v63  }
0x107: {  	s1 =	sadd.s32 $0x100, s15;
	s3 =	simm.s32 $0x3980  }
0x108: {  	[hbm4b:s1+s2] =	stream.linear.scatter [tilespmem:s3], [sflag:$0x1], $0x80, $0x38;
	[tilespmem:$0x4800] =	vst v63  }
0x109: {  	s5 =	sadd.s32 $0x180, s15;
	s6 =	simm.s32 $0x3D80  }
0x10a: {  	[hbm4b:s5+s2] =	stream.linear.scatter [tilespmem:s6], [sflag:$0x1], $0x80, $0x38;
	[tilespmem:$0x4800] =	vst v63  }
0x10b: {  	_ =	swait.ge [sflag:s25], $0x200  }
0x10c: {  	[sflag:s25] =	ssyncset.done $0x0  }
0x10d: {  	s24 =	simm.s32 $0x3200;
	[sflag:s25] =	ssyncadd.s32 $0xFFFFFE00  }
0x10e: {  	[hbm4b:s16+s2] =	stream.linear.scatter [tilespmem:s24], [sflag:$0x1], $0x80, $0x38;
	[tilespmem:$0x4800] =	vst v63  }
0x10f: {  	s26 =	sadd.s32 $0x80, s16;
	s28 =	simm.s32 $0x3600  }
0x110: {  	[hbm4b:s26+s2] =	stream.linear.scatter [tilespmem:s28], [sflag:$0x1], $0x80, $0x38;
	[tilespmem:$0x4800] =	vst v63  }
0x111: {  	s29 =	sadd.s32 $0x100, s16;
	s31 =	simm.s32 $0x3A00  }
0x112: {  	[hbm4b:s29+s2] =	stream.linear.scatter [tilespmem:s31], [sflag:$0x1], $0x80, $0x38;
	[tilespmem:$0x4800] =	vst v63  }
0x113: {  	s1 =	sadd.s32 $0x180, s16;
	s3 =	simm.s32 $0x3E00  }
0x114: {  	[hbm4b:s1+s2] =	stream.linear.scatter [tilespmem:s3], [sflag:$0x1], $0x80, $0x38;
	[tilespmem:$0x4800] =	vst v63  }
0x115: {  	_ =	swait.ge [sflag:s25], $0x200  }
0x116: {  	[sflag:s25] =	ssyncset.done $0x0  }
0x117: {  	s5 =	simm.s32 $0x3280;
	[sflag:s25] =	ssyncadd.s32 $0xFFFFFE00  }
0x118: {  	[hbm4b:s17+s2] =	stream.linear.scatter [tilespmem:s5], [sflag:$0x1], $0x80, $0x38;
	[tilespmem:$0x4800] =	vst v63  }
0x119: {  	s6 =	sadd.s32 $0x80, s17;
	s24 =	simm.s32 $0x3680  }
0x11a: {  	[hbm4b:s6+s2] =	stream.linear.scatter [tilespmem:s24], [sflag:$0x1], $0x80, $0x38;
	[tilespmem:$0x4800] =	vst v63  }
0x11b: {  	s26 =	sadd.s32 $0x100, s17;
	s28 =	simm.s32 $0x3A80  }
0x11c: {  	[hbm4b:s26+s2] =	stream.linear.scatter [tilespmem:s28], [sflag:$0x1], $0x80, $0x38;
	[tilespmem:$0x4800] =	vst v63  }
0x11d: {  	s29 =	sadd.s32 $0x180, s17;
	s31 =	simm.s32 $0x3E80  }
0x11e: {  	[hbm4b:s29+s2] =	stream.linear.scatter [tilespmem:s31], [sflag:$0x1], $0x80, $0x38;
	[tilespmem:$0x4800] =	vst v63  }
0x11f: {  	_ =	swait.ge [sflag:s25], $0x200  }
0x120: {  	[sflag:s25] =	ssyncset.done $0x0  }
0x121: {  	s3 =	simm.s32 $0x3300;
	[sflag:s25] =	ssyncadd.s32 $0xFFFFFE00  }
0x122: {  	[hbm4b:s18+s2] =	stream.linear.scatter [tilespmem:s3], [sflag:$0x1], $0x80, $0x38;
	[tilespmem:$0x4800] =	vst v63  }
0x123: {  	s5 =	sadd.s32 $0x80, s18;
	s6 =	simm.s32 $0x3700  }
0x124: {  	[hbm4b:s5+s2] =	stream.linear.scatter [tilespmem:s6], [sflag:$0x1], $0x80, $0x38;
	[tilespmem:$0x4800] =	vst v63  }
0x125: {  	s24 =	sadd.s32 $0x100, s18;
	s26 =	simm.s32 $0x3B00  }
0x126: {  	[hbm4b:s24+s2] =	stream.linear.scatter [tilespmem:s26], [sflag:$0x1], $0x80, $0x38;
	[tilespmem:$0x4800] =	vst v63  }
0x127: {  	s28 =	sadd.s32 $0x180, s18;
	s29 =	simm.s32 $0x3F00  }
0x128: {  	[hbm4b:s28+s2] =	stream.linear.scatter [tilespmem:s29], [sflag:$0x1], $0x80, $0x38;
	[tilespmem:$0x4800] =	vst v63  }
0x129: {  	_ =	swait.ge [sflag:s25], $0x200  }
0x12a: {  	[sflag:s25] =	ssyncset.done $0x0  }
0x12b: {  	s31 =	simm.s32 $0x3380;
	[sflag:s25] =	ssyncadd.s32 $0xFFFFFE00  }
0x12c: {  	[hbm4b:s19+s2] =	stream.linear.scatter [tilespmem:s31], [sflag:$0x1], $0x80, $0x38;
	[tilespmem:$0x4800] =	vst v63  }
0x12d: {  	s1 =	sadd.s32 $0x80, s19;
	s3 =	simm.s32 $0x3780  }
0x12e: {  	[hbm4b:s1+s2] =	stream.linear.scatter [tilespmem:s3], [sflag:$0x1], $0x80, $0x38;
	[tilespmem:$0x4800] =	vst v63  }
0x12f: {  	s5 =	sadd.s32 $0x100, s19;
	s6 =	simm.s32 $0x3B80  }
0x130: {  	[hbm4b:s5+s2] =	stream.linear.scatter [tilespmem:s6], [sflag:$0x1], $0x80, $0x38;
	[tilespmem:$0x4800] =	vst v63  }
0x131: {  	s24 =	sadd.s32 $0x180, s19;
	s26 =	simm.s32 $0x3F80  }
0x132: {  	[hbm4b:s24+s2] =	stream.linear.scatter [tilespmem:s26], [sflag:$0x1], $0x80, $0x38;
	[tilespmem:$0x4800] =	vst v63  }
0x133: {  	_ =	swait.ge [sflag:s25], $0x200  }
0x134: {  	[sflag:s25] =	ssyncset.done $0x0  }
0x135: {  	s28 =	simm.s32 $0x4000;
	[sflag:s25] =	ssyncadd.s32 $0xFFFFFE00  }
0x136: {  	[hbm4b:s20+s2] =	stream.linear.scatter [tilespmem:s28], [sflag:$0x1], $0x80, $0x38;
	[tilespmem:$0x4800] =	vst v63  }
0x137: {  	s29 =	sadd.s32 $0x20, s20;
	s31 =	simm.s32 $0x4100  }
0x138: {  	[hbm4b:s29+s2] =	stream.linear.scatter [tilespmem:s31], [sflag:$0x1], $0x80, $0x38;
	[tilespmem:$0x4800] =	vst v63  }
0x139: {  	s1 =	sadd.s32 $0x40, s20;
	s3 =	simm.s32 $0x4200  }
0x13a: {  	[hbm4b:s1+s2] =	stream.linear.scatter [tilespmem:s3], [sflag:$0x1], $0x80, $0x38;
	[tilespmem:$0x4800] =	vst v63  }
0x13b: {  	s5 =	sadd.s32 $0x60, s20;
	s6 =	simm.s32 $0x4300  }
0x13c: {  	[hbm4b:s5+s2] =	stream.linear.scatter [tilespmem:s6], [sflag:$0x1], $0x80, $0x38;
	[tilespmem:$0x4800] =	vst v63  }
0x13d: {  	_ =	swait.ge [sflag:s25], $0x200  }
0x13e: {  	[sflag:s25] =	ssyncset.done $0x0  }
0x13f: {  	s24 =	simm.s32 $0x4400;
	[sflag:s25] =	ssyncadd.s32 $0xFFFFFE00  }
0x140: {  	[hbm4b:s21+s2] =	stream.linear.scatter [tilespmem:s24], [sflag:$0x1], $0x80, $0x38;
	[tilespmem:$0x4800] =	vst v63  }
0x141: {  	s26 =	sadd.s32 $0x20, s21;
	s28 =	simm.s32 $0x4500  }
0x142: {  	[hbm4b:s26+s2] =	stream.linear.scatter [tilespmem:s28], [sflag:$0x1], $0x80, $0x38;
	[tilespmem:$0x4800] =	vst v63  }
0x143: {  	s29 =	sadd.s32 $0x40, s21;
	s31 =	simm.s32 $0x4600  }
0x144: {  	[hbm4b:s29+s2] =	stream.linear.scatter [tilespmem:s31], [sflag:$0x1], $0x80, $0x38;
	[tilespmem:$0x4800] =	vst v63  }
0x145: {  	s1 =	sadd.s32 $0x60, s21;
	s3 =	simm.s32 $0x4700  }
0x146: {  	[hbm4b:s1+s2] =	stream.linear.scatter [tilespmem:s3], [sflag:$0x1], $0x80, $0x38;
	[tilespmem:$0x4800] =	vst v63  }
0x147: {  	_ =	swait.ge [sflag:s25], $0x200  }
0x148: {  	[sflag:s25] =	ssyncset.done $0x0  }
0x149: {  	s5 =	simm.s32 $0x4080;
	[sflag:s25] =	ssyncadd.s32 $0xFFFFFE00  }
0x14a: {  	[hbm4b:s22+s2] =	stream.linear.scatter [tilespmem:s5], [sflag:$0x1], $0x80, $0x38;
	[tilespmem:$0x4800] =	vst v63  }
0x14b: {  	s6 =	sadd.s32 $0x20, s22;
	s24 =	simm.s32 $0x4180  }
0x14c: {  	[hbm4b:s6+s2] =	stream.linear.scatter [tilespmem:s24], [sflag:$0x1], $0x80, $0x38;
	[tilespmem:$0x4800] =	vst v63  }
0x14d: {  	s26 =	sadd.s32 $0x40, s22;
	s28 =	simm.s32 $0x4280  }
0x14e: {  	[hbm4b:s26+s2] =	stream.linear.scatter [tilespmem:s28], [sflag:$0x1], $0x80, $0x38;
	[tilespmem:$0x4800] =	vst v63  }
0x14f: {  	s29 =	sadd.s32 $0x60, s22;
	s31 =	simm.s32 $0x4380  }
0x150: {  	[hbm4b:s29+s2] =	stream.linear.scatter [tilespmem:s31], [sflag:$0x1], $0x80, $0x38;
	[tilespmem:$0x4800] =	vst v63  }
0x151: {  	_ =	swait.ge [sflag:s25], $0x200  }
0x152: {  	[sflag:s25] =	ssyncset.done $0x0  }
0x153: {  	s3 =	simm.s32 $0x4480;
	[sflag:s25] =	ssyncadd.s32 $0xFFFFFE00  }
0x154: {  	[hbm4b:s23+s2] =	stream.linear.scatter [tilespmem:s3], [sflag:$0x1], $0x80, $0x38;
	[tilespmem:$0x4800] =	vst v63  }
0x155: {  	s5 =	sadd.s32 $0x20, s23;
	s6 =	simm.s32 $0x4580  }
0x156: {  	[hbm4b:s5+s2] =	stream.linear.scatter [tilespmem:s6], [sflag:$0x1], $0x80, $0x38;
	[tilespmem:$0x4800] =	vst v63  }
0x157: {  	s24 =	sadd.s32 $0x40, s23;
	s26 =	simm.s32 $0x4680  }
0x158: {  	[hbm4b:s24+s2] =	stream.linear.scatter [tilespmem:s26], [sflag:$0x1], $0x80, $0x38;
	[tilespmem:$0x4800] =	vst v63  }
0x159: {  	s28 =	sadd.s32 $0x60, s23;
	s29 =	simm.s32 $0x4780  }
0x15a: {  	[hbm4b:s28+s2] =	stream.linear.scatter [tilespmem:s29], [sflag:$0x1], $0x80, $0x38;
	[tilespmem:$0x4800] =	vst v63  }
0x15b: {  	_ =	swait.ge [sflag:s25], $0x200  }
0x15c: {  	s30 =	sadd.s32 $0x1, s30;
	s31 =	rddreg [dreg:$0x8]  }
0x15d: {  	p0 =	sne.s32 s30, s31  }
.Ltmp1:
0x15e: {  	_ = 	snop;
	(pc) =	sbr.rel @p0 .LBB2_1-.Ltmp1, $3  }
0x15f: {  	_ =	sdelay $0x1  }
0x160: {  	[sflag:s25] =	ssyncset.done $0x0  }
0x161: {  	[sflag:s25] =	ssyncadd.s32 $0xFFFFFE00  }
0x162: {  	_ =	sfence.sel $0x180000  }
0x163: {  	[bflag:$0x0] =	sbarrier.arrive $0xFFFF  }
0x164: {  	_ =	strace $0x90000047  }
0x165: {  	s0 =	stileid.u32;
	[bflag:$0x2] =	sbarrier.arrive $0xFFFF  }
0x166: {  	p0 =	sne.s32 s0, $0x0;
	s0 =	rddreg [dreg:$0x4]  }
0x167: {  	s0 =	sadd.s32 @!p0 $0x100000, s0  }
0x168: {  	[sflag:s0] =	ssyncadd.tile.s32 @!p0 $0x1;
	_ =	shalt  }
.Lfunc_end2:
_tile_overlayer_lowered:
.L_overlay_start_2:
0x169: {  	(tag) =	ssettag $0x2  }
0x16a: {  	s0 =	rddreg [dreg:$0x0];
	s2 =	stileid.u32  }
0x16b: {  	s1 =	rddreg [dreg:$0x1];
	p0 =	sne.s32 s2, $0x0  }
0x16c: {  	s3 =	rddreg [dreg:$0x2];
	[bflag:$0x3] =	sbarrier.arrive $0xFFFF;
	s2 =	simm.s32 @!p0 $0x1C01  }
0x16d: {  	[timem:s3], [sflag:s2] =	dma.local @!p0 [hbm:s0], s1  }
0x16e: {  	s0 =	simm.s32 @!p0 $0x1  }
0x16f: {  	_ =	swait.ge @!p0 [sflag:s0], s1  }
0x170: {  	s1 =	ssub.s32 @!p0 $0x0, s1;
	[sflag:s0] =	ssyncset.done @!p0 $0x0  }
0x171: {  	[sflag:s0] =	ssyncadd.s32 @!p0 s1  }
0x172: {  	[bflag:$0x3] =	sbarrier.arrive $0xFFFF  }
0x173: {  	_ =	shalt  }

</sc_bundles>
